<compile_context>
chip_gen: v7x
topology: tpu7x:2x2x1
jax: 0.10.2.dev20260603
libtpu: 0.0.44.dev20260713+nightly
codegen_flags: <defaults>
</compile_context>

<pallas_src>
import functools

import jax
import jax.numpy as jnp
from jax import lax
from jax.experimental import pallas as pl
from jax.experimental.pallas import tpu as pltpu
from jax.experimental.pallas import tpu_sc as plsc

NC = 2
NS = 16
NW = NC * NS
LANES = 16
HEADS = 8
HD = 16
HIDDEN = 128
SCALE = float(HD) ** -0.5
B = 80


def _proj_body(h_ref, wqt_ref, bq_ref, wkt_ref, bk_ref, wvt_ref, bv_ref,
               q_ref, kv_ref):
    hb = h_ref[...]
    q = jnp.dot(hb, wqt_ref[...], preferred_element_type=jnp.float32)
    q_ref[...] = (q + bq_ref[...]) * SCALE
    k = jnp.dot(hb, wkt_ref[...], preferred_element_type=jnp.float32) + bk_ref[...]
    v = jnp.dot(hb, wvt_ref[...], preferred_element_type=jnp.float32) + bv_ref[...]
    kv_ref[...] = jnp.concatenate([k, v], axis=1)


def _final_body(o0_ref, o1_ref, d0_ref, d1_ref, sel_ref, wot_ref, bo_ref,
                out_ref):
    p = o0_ref[...] + o1_ref[...]
    d = d0_ref[...] + d1_ref[...]
    r = jnp.where(d > 0.0, 1.0 / jnp.where(d > 0.0, d, 1.0), 0.0)
    r128 = jnp.dot(r, sel_ref[...], preferred_element_type=jnp.float32)
    out = p * r128
    out_ref[...] = (
        jnp.dot(out, wot_ref[...], preferred_element_type=jnp.float32)
        + bo_ref[...])


def _sc_body(n_nodes, epw, q_hbm, kv_hbm, row_hbm, col_hbm, zo_hbm, zd_hbm,
             out_hbm, den_hbm, oacc, dacc, row_v, col_v, qbuf, kvbuf, wvbuf,
             esbuf, sem0, sem1):
    c = lax.axis_index("c")
    s = lax.axis_index("s")
    wid = c * NS + s
    rpt = n_nodes // NS

    pltpu.sync_copy(zo_hbm.at[pl.ds(s * rpt, rpt)], oacc.at[pl.ds(s * rpt, rpt)])
    pltpu.sync_copy(zd_hbm.at[pl.ds(s * rpt, rpt)], dacc.at[pl.ds(s * rpt, rpt)])
    plsc.subcore_barrier()

    lane_iota = lax.iota(jnp.int32, LANES)

    def chunk_body(ci, carry):
        base = wid * epw + ci * B
        pltpu.sync_copy(row_hbm.at[pl.ds(base, B)], row_v)
        pltpu.sync_copy(col_hbm.at[pl.ds(base, B)], col_v)
        cq = pltpu.async_copy(q_hbm.at[row_v], qbuf, sem0)
        ck = pltpu.async_copy(kv_hbm.at[col_v], kvbuf, sem1)
        cq.wait()
        ck.wait()

        def group_body(g, _):
            evec = g * LANES + lane_iota

            def head_body(hh, _):
                cbase = hh * HD
                acc = jnp.zeros((LANES,), jnp.float32)
                for d_ in range(HD):
                    cvec = jnp.full((LANES,), cbase + d_, jnp.int32)
                    qv = plsc.load_gather(qbuf, [evec, cvec])
                    kv2 = plsc.load_gather(kvbuf, [evec, cvec])
                    acc = acc + qv * kv2
                es = jnp.exp(acc)
                hvec = jnp.full((LANES,), hh, jnp.int32)
                plsc.store_scatter(esbuf, [evec, hvec], es)
                for j in range(LANES):
                    e_row = g * LANES + j
                    scv = lax.broadcast_in_dim(es[j], (LANES,), ())
                    vrow = kvbuf[e_row, pl.ds(HIDDEN + cbase, HD)]
                    wvbuf[e_row, pl.ds(cbase, HD)] = vrow * scv
                return 0

            lax.fori_loop(0, HEADS, head_body, 0)
            return 0

        lax.fori_loop(0, B // LANES, group_body, 0)
        pltpu.sync_copy(esbuf, dacc.at[row_v], add=True)
        pltpu.sync_copy(wvbuf, oacc.at[row_v], add=True)
        return carry

    lax.fori_loop(0, epw // B, chunk_body, 0)

    plsc.subcore_barrier()
    pltpu.sync_copy(oacc.at[pl.ds(s * rpt, rpt)],
                    out_hbm.at[c].at[pl.ds(s * rpt, rpt)])
    pltpu.sync_copy(dacc.at[pl.ds(s * rpt, rpt)],
                    den_hbm.at[c].at[pl.ds(s * rpt, rpt)])


def kernel(h, edge_index, Wq, bq, Wk, bk, Wv, bv, Wo, bo):
    n = h.shape[0]
    e = edge_index.shape[1]
    row = edge_index[0]
    col = edge_index[1]
    epw = e // NW

    bs = 1000
    grid = n // bs

    q, kv = pl.pallas_call(
        _proj_body,
        grid=(grid,),
        in_specs=[
            pl.BlockSpec((bs, HIDDEN), lambda i: (i, 0)),
            pl.BlockSpec((HIDDEN, HIDDEN), lambda i: (0, 0)),
            pl.BlockSpec((1, HIDDEN), lambda i: (0, 0)),
            pl.BlockSpec((HIDDEN, HIDDEN), lambda i: (0, 0)),
            pl.BlockSpec((1, HIDDEN), lambda i: (0, 0)),
            pl.BlockSpec((HIDDEN, HIDDEN), lambda i: (0, 0)),
            pl.BlockSpec((1, HIDDEN), lambda i: (0, 0)),
        ],
        out_specs=[
            pl.BlockSpec((bs, HIDDEN), lambda i: (i, 0)),
            pl.BlockSpec((bs, 2 * HIDDEN), lambda i: (i, 0)),
        ],
        out_shape=[
            jax.ShapeDtypeStruct((n, HIDDEN), jnp.float32),
            jax.ShapeDtypeStruct((n, 2 * HIDDEN), jnp.float32),
        ],
    )(h, Wq.T, bq.reshape(1, HIDDEN), Wk.T, bk.reshape(1, HIDDEN),
      Wv.T, bv.reshape(1, HIDDEN))

    zo = jnp.zeros((n, HIDDEN), jnp.float32)
    zd = jnp.zeros((n, HEADS), jnp.float32)

    mesh = plsc.VectorSubcoreMesh(core_axis_name="c", subcore_axis_name="s")
    opart, dpart = pl.kernel(
        functools.partial(_sc_body, n, epw),
        out_type=(
            jax.ShapeDtypeStruct((NC, n, HIDDEN), jnp.float32),
            jax.ShapeDtypeStruct((NC, n, HEADS), jnp.float32),
        ),
        mesh=mesh,
        scratch_types=[
            pltpu.VMEM_SHARED((n, HIDDEN), jnp.float32),
            pltpu.VMEM_SHARED((n, HEADS), jnp.float32),
            pltpu.VMEM((B,), jnp.int32),
            pltpu.VMEM((B,), jnp.int32),
            pltpu.VMEM((B, HIDDEN), jnp.float32),
            pltpu.VMEM((B, 2 * HIDDEN), jnp.float32),
            pltpu.VMEM((B, HIDDEN), jnp.float32),
            pltpu.VMEM((B, HEADS), jnp.float32),
            pltpu.SemaphoreType.DMA,
            pltpu.SemaphoreType.DMA,
        ],
        compiler_params=pltpu.CompilerParams(use_tc_tiling_on_sc=False,
                                             needs_layout_passes=False),
    )(q, kv, row, col, zo, zd)

    sel = jnp.kron(jnp.eye(HEADS, dtype=jnp.float32),
                   jnp.ones((1, HD), jnp.float32))

    out = pl.pallas_call(
        _final_body,
        grid=(grid,),
        in_specs=[
            pl.BlockSpec((bs, HIDDEN), lambda i: (i, 0)),
            pl.BlockSpec((bs, HIDDEN), lambda i: (i, 0)),
            pl.BlockSpec((bs, HEADS), lambda i: (i, 0)),
            pl.BlockSpec((bs, HEADS), lambda i: (i, 0)),
            pl.BlockSpec((HEADS, HIDDEN), lambda i: (0, 0)),
            pl.BlockSpec((HIDDEN, HIDDEN), lambda i: (0, 0)),
            pl.BlockSpec((1, HIDDEN), lambda i: (0, 0)),
        ],
        out_specs=pl.BlockSpec((bs, HIDDEN), lambda i: (i, 0)),
        out_shape=jax.ShapeDtypeStruct((n, HIDDEN), jnp.float32),
    )(opart[0], opart[1], dpart[0], dpart[1], sel, Wo.T,
      bo.reshape(1, HIDDEN))
    return out

# --- scband reference (transcript-rebuilt; emitter-appended) ---
"""Pipeline reference for scband-sparse-mha-30709016166454 (READ-ONLY COPY).

The authoritative reference and input builder live on the scoring server;
editing this copy changes nothing except your own understanding.
"""

import jax, jax.numpy as jnp
import numpy as np

N = 10000
E = 320000
HIDDEN = 128
HEADS = 8
HEAD_DIM = HIDDEN // HEADS


def setup_inputs(seed: int = 0) -> dict:
    key = jax.random.key(seed)
    ks = jax.random.split(key, 12)
    h = jax.random.normal(ks[0], (N, HIDDEN), dtype=jnp.float32)
    edge_index = jax.random.randint(ks[1], (2, E), 0, N, dtype=jnp.int32)
    s = 1.0 / np.sqrt(HIDDEN)
    Wq = jax.random.uniform(ks[2], (HIDDEN, HIDDEN), jnp.float32, -s, s)
    bq = jax.random.uniform(ks[3], (HIDDEN,), jnp.float32, -s, s)
    Wk = jax.random.uniform(ks[4], (HIDDEN, HIDDEN), jnp.float32, -s, s)
    bk = jax.random.uniform(ks[5], (HIDDEN,), jnp.float32, -s, s)
    Wv = jax.random.uniform(ks[6], (HIDDEN, HIDDEN), jnp.float32, -s, s)
    bv = jax.random.uniform(ks[7], (HIDDEN,), jnp.float32, -s, s)
    Wo = jax.random.uniform(ks[8], (HIDDEN, HIDDEN), jnp.float32, -s, s)
    bo = jax.random.uniform(ks[9], (HIDDEN,), jnp.float32, -s, s)
    return {"h": h, "edge_index": edge_index, "Wq": Wq, "bq": bq,
            "Wk": Wk, "bk": bk, "Wv": Wv, "bv": bv, "Wo": Wo, "bo": bo}


def reference(h, edge_index, Wq, bq, Wk, bk, Wv, bv, Wo, bo):
    n = h.shape[0]
    scaling = HEAD_DIM ** (-0.5)
    q = (h @ Wq.T + bq).reshape(n, HEADS, HEAD_DIM) * scaling
    k = (h @ Wk.T + bk).reshape(n, HEADS, HEAD_DIM)
    v = (h @ Wv.T + bv).reshape(n, HEADS, HEAD_DIM)
    row = edge_index[0]  # dst node of each edge (sparse row)
    col = edge_index[1]  # src node of each edge (sparse col)
    # bsddmm: per-edge, per-head attention logits
    scores = jnp.sum(q[row] * k[col], axis=-1)  # [E, HEADS]
    # sparse softmax over each row's nonzeros (per head)
    row_max = jax.ops.segment_max(scores, row, num_segments=n)  # [N, HEADS]
    row_max = jnp.where(jnp.isfinite(row_max), row_max, 0.0)
    exp = jnp.exp(scores - row_max[row])
    denom = jax.ops.segment_sum(exp, row, num_segments=n)  # [N, HEADS]
    attn = exp / denom[row]
    # bspmm: weighted aggregation of v over neighbors
    out = jax.ops.segment_sum(attn[:, :, None] * v[col], row, num_segments=n)  # [N, HEADS, HEAD_DIM]
    out = out.reshape(n, HIDDEN)
    return out @ Wo.T + bo

if __name__ == "__main__":
    import jax
    _d = setup_inputs()
    print(jax.jit(kernel)(*tuple(_d.values())))

</pallas_src>

<mosaic_0001>
#map = affine_map<(d0, d1) -> (0, 0)>
#map1 = affine_map<(d0, d1) -> (0)>
#map2 = affine_map<(d0, d1) -> (0, 0, 0)>
module attributes {stable_mosaic.version = 14 : i64} {
  func.func @_sc_body(%arg0: i32, %arg1: i32, %arg2: memref<10000x128xf32, #tpu.memory_space<hbm>>, %arg3: memref<10000x256xf32, #tpu.memory_space<hbm>>, %arg4: memref<320000xi32, #tpu.memory_space<hbm>>, %arg5: memref<320000xi32, #tpu.memory_space<hbm>>, %arg6: memref<10000x128xf32, #tpu.memory_space<hbm>>, %arg7: memref<10000x8xf32, #tpu.memory_space<hbm>>, %arg8: memref<2x10000x128xf32, #tpu.memory_space<hbm>>, %arg9: memref<2x10000x8xf32, #tpu.memory_space<hbm>>, %arg10: memref<10000x128xf32, #tpu.memory_space<vmem_shared>>, %arg11: memref<10000x8xf32, #tpu.memory_space<vmem_shared>>, %arg12: memref<80xi32, #tpu.memory_space<vmem>>, %arg13: memref<80xi32, #tpu.memory_space<vmem>>, %arg14: memref<80x128xf32, #tpu.memory_space<vmem>>, %arg15: memref<80x256xf32, #tpu.memory_space<vmem>>, %arg16: memref<80x128xf32, #tpu.memory_space<vmem>>, %arg17: memref<80x8xf32, #tpu.memory_space<vmem>>, %arg18: memref<!tpu.dma_semaphore, #tpu.memory_space<semaphore_mem>>, %arg19: memref<!tpu.dma_semaphore, #tpu.memory_space<semaphore_mem>>) attributes {dimension_semantics = [#tpu.dimension_semantics<core_parallel>, #tpu.dimension_semantics<subcore_parallel>], iteration_bounds = array<i64: 2, 16>, scalar_prefetch = 0 : i64, scratch_operands = 10 : i64, tpu.core_type = #tpu.core_type<sc_vector_subcore>, window_params = [{transform_indices = #map}, {transform_indices = #map}, {transform_indices = #map1}, {transform_indices = #map1}, {transform_indices = #map}, {transform_indices = #map}, {transform_indices = #map2}, {transform_indices = #map2}]} {
    %mul3A = arith.constant 16 : i32
    %mul3A_0 = arith.muli %arg0, %mul3A : i32
    %add3A = arith.addi %mul3A_0, %arg1 : i32
    %mul3A_1 = arith.constant 625 : i32
    %mul3A_2 = arith.muli %arg1, %mul3A_1 : i32
    %mul3A_3 = arith.constant 625 : i32
    %mul3A_4 = arith.muli %arg1, %mul3A_3 : i32
    "tpu.region"() ({
      %run_scoped3A = tpu.sem_alloc : memref<!tpu.dma_semaphore, #tpu.memory_space<semaphore_mem>>
      %dma_start3A = arith.constant 0 : i32
      %dma_start3A_23 = tpu.memref_slice %arg10[%mul3A_4, %dma_start3A] : memref<10000x128xf32, #tpu.memory_space<vmem_shared>> -> memref<625x128xf32, #tpu.memory_space<vmem_shared>>
      %dma_start3A_24 = arith.constant 0 : i32
      %dma_start3A_25 = tpu.memref_slice %arg6[%mul3A_2, %dma_start3A_24] : memref<10000x128xf32, #tpu.memory_space<hbm>> -> memref<625x128xf32, #tpu.memory_space<hbm>>
      tpu.enqueue_dma source(%dma_start3A_25 : memref<625x128xf32, #tpu.memory_space<hbm>>) target(%dma_start3A_23 : memref<625x128xf32, #tpu.memory_space<vmem_shared>>) target_semaphore(%run_scoped3A : memref<!tpu.dma_semaphore, #tpu.memory_space<semaphore_mem>>)
      %dma_wait3A = arith.constant 0 : i32
      %dma_wait3A_26 = tpu.memref_slice %arg10[%mul3A_4, %dma_wait3A] : memref<10000x128xf32, #tpu.memory_space<vmem_shared>> -> memref<625x128xf32, #tpu.memory_space<vmem_shared>>
      %dma_wait3A_27 = arith.constant 0 : i32
      %dma_wait3A_28 = tpu.memref_slice %arg6[%mul3A_2, %dma_wait3A_27] : memref<10000x128xf32, #tpu.memory_space<hbm>> -> memref<625x128xf32, #tpu.memory_space<hbm>>
      tpu.wait_dma2 semaphore(%run_scoped3A : memref<!tpu.dma_semaphore, #tpu.memory_space<semaphore_mem>>) src(%dma_wait3A_28 : memref<625x128xf32, #tpu.memory_space<hbm>>) dst(%dma_wait3A_26 : memref<625x128xf32, #tpu.memory_space<vmem_shared>>)
      tpu.yield
    }) : () -> ()
    %mul3A_5 = arith.constant 625 : i32
    %mul3A_6 = arith.muli %arg1, %mul3A_5 : i32
    %mul3A_7 = arith.constant 625 : i32
    %mul3A_8 = arith.muli %arg1, %mul3A_7 : i32
    "tpu.region"() ({
      %run_scoped3A = tpu.sem_alloc : memref<!tpu.dma_semaphore, #tpu.memory_space<semaphore_mem>>
      %dma_start3A = arith.constant 0 : i32
      %dma_start3A_23 = tpu.memref_slice %arg11[%mul3A_8, %dma_start3A] : memref<10000x8xf32, #tpu.memory_space<vmem_shared>> -> memref<625x8xf32, #tpu.memory_space<vmem_shared>>
      %dma_start3A_24 = arith.constant 0 : i32
      %dma_start3A_25 = tpu.memref_slice %arg7[%mul3A_6, %dma_start3A_24] : memref<10000x8xf32, #tpu.memory_space<hbm>> -> memref<625x8xf32, #tpu.memory_space<hbm>>
      tpu.enqueue_dma source(%dma_start3A_25 : memref<625x8xf32, #tpu.memory_space<hbm>>) target(%dma_start3A_23 : memref<625x8xf32, #tpu.memory_space<vmem_shared>>) target_semaphore(%run_scoped3A : memref<!tpu.dma_semaphore, #tpu.memory_space<semaphore_mem>>)
      %dma_wait3A = arith.constant 0 : i32
      %dma_wait3A_26 = tpu.memref_slice %arg11[%mul3A_8, %dma_wait3A] : memref<10000x8xf32, #tpu.memory_space<vmem_shared>> -> memref<625x8xf32, #tpu.memory_space<vmem_shared>>
      %dma_wait3A_27 = arith.constant 0 : i32
      %dma_wait3A_28 = tpu.memref_slice %arg7[%mul3A_6, %dma_wait3A_27] : memref<10000x8xf32, #tpu.memory_space<hbm>> -> memref<625x8xf32, #tpu.memory_space<hbm>>
      tpu.wait_dma2 semaphore(%run_scoped3A : memref<!tpu.dma_semaphore, #tpu.memory_space<semaphore_mem>>) src(%dma_wait3A_28 : memref<625x8xf32, #tpu.memory_space<hbm>>) dst(%dma_wait3A_26 : memref<625x8xf32, #tpu.memory_space<vmem_shared>>)
      tpu.yield
    }) : () -> ()
    %barrier3A = arith.constant 0 : index
    tpu.barrier barrier_id(%barrier3A)
    %iota3A = tpu.iota {dimensions = array<i32: 0>} : vector<16xi32>
    %scan3A = arith.constant 0 : i32
    %scan3A_9 = arith.constant 0 : i32
    %scan3A_10 = arith.constant 125 : i32
    %scan3A_11 = arith.addi %scan3A_9, %scan3A_10 : i32
    %scan3A_12 = arith.constant 1 : i32
    scf.for %scan3A_23 = %scan3A_9 to %scan3A_11 step %scan3A_12  : i32 {
      %mul3A_24 = arith.constant 10000 : i32
      %mul3A_25 = arith.muli %add3A, %mul3A_24 : i32
      %mul3A_26 = arith.constant 80 : i32
      %mul3A_27 = arith.muli %scan3A_23, %mul3A_26 : i32
      %add3A_28 = arith.addi %mul3A_25, %mul3A_27 : i32
      "tpu.region"() ({
        %run_scoped3A = tpu.sem_alloc : memref<!tpu.dma_semaphore, #tpu.memory_space<semaphore_mem>>
        %dma_start3A_46 = tpu.memref_slice %arg4[%add3A_28] : memref<320000xi32, #tpu.memory_space<hbm>> -> memref<80xi32, #tpu.memory_space<hbm>>
        %dma_start3A_47 = tpu.memref_slice %arg4[%add3A_28] : memref<320000xi32, #tpu.memory_space<hbm>> -> memref<80xi32, #tpu.memory_space<hbm>>
        tpu.enqueue_dma source(%dma_start3A_47 : memref<80xi32, #tpu.memory_space<hbm>>) target(%arg12 : memref<80xi32, #tpu.memory_space<vmem>>) target_semaphore(%run_scoped3A : memref<!tpu.dma_semaphore, #tpu.memory_space<semaphore_mem>>)
        %dma_wait3A_48 = tpu.memref_slice %arg4[%add3A_28] : memref<320000xi32, #tpu.memory_space<hbm>> -> memref<80xi32, #tpu.memory_space<hbm>>
        %dma_wait3A_49 = tpu.memref_slice %arg4[%add3A_28] : memref<320000xi32, #tpu.memory_space<hbm>> -> memref<80xi32, #tpu.memory_space<hbm>>
        tpu.wait_dma2 semaphore(%run_scoped3A : memref<!tpu.dma_semaphore, #tpu.memory_space<semaphore_mem>>) src(%dma_wait3A_49 : memref<80xi32, #tpu.memory_space<hbm>>) dst(%arg12 : memref<80xi32, #tpu.memory_space<vmem>>)
        tpu.yield
      }) : () -> ()
      "tpu.region"() ({
        %run_scoped3A = tpu.sem_alloc : memref<!tpu.dma_semaphore, #tpu.memory_space<semaphore_mem>>
        %dma_start3A_46 = tpu.memref_slice %arg5[%add3A_28] : memref<320000xi32, #tpu.memory_space<hbm>> -> memref<80xi32, #tpu.memory_space<hbm>>
        %dma_start3A_47 = tpu.memref_slice %arg5[%add3A_28] : memref<320000xi32, #tpu.memory_space<hbm>> -> memref<80xi32, #tpu.memory_space<hbm>>
        tpu.enqueue_dma source(%dma_start3A_47 : memref<80xi32, #tpu.memory_space<hbm>>) target(%arg13 : memref<80xi32, #tpu.memory_space<vmem>>) target_semaphore(%run_scoped3A : memref<!tpu.dma_semaphore, #tpu.memory_space<semaphore_mem>>)
        %dma_wait3A_48 = tpu.memref_slice %arg5[%add3A_28] : memref<320000xi32, #tpu.memory_space<hbm>> -> memref<80xi32, #tpu.memory_space<hbm>>
        %dma_wait3A_49 = tpu.memref_slice %arg5[%add3A_28] : memref<320000xi32, #tpu.memory_space<hbm>> -> memref<80xi32, #tpu.memory_space<hbm>>
        tpu.wait_dma2 semaphore(%run_scoped3A : memref<!tpu.dma_semaphore, #tpu.memory_space<semaphore_mem>>) src(%dma_wait3A_49 : memref<80xi32, #tpu.memory_space<hbm>>) dst(%arg13 : memref<80xi32, #tpu.memory_space<vmem>>)
        tpu.yield
      }) : () -> ()
      %dma_start3A = arith.constant 0 : i32
      %dma_start3A_29 = arith.constant 0 : i32
      %dma_start3A_30 = tpu.memref_slice %arg2[%dma_start3A, %dma_start3A_29] : memref<10000x128xf32, #tpu.memory_space<hbm>> -> memref<10000x128xf32, #tpu.memory_space<hbm>>
      tpu.enqueue_indirect_dma source(%dma_start3A_30 : memref<10000x128xf32, #tpu.memory_space<hbm>>) target(%arg14 : memref<80x128xf32, #tpu.memory_space<vmem>>) offsets(%arg12 : memref<80xi32, #tpu.memory_space<vmem>>) semaphore(%arg18 : memref<!tpu.dma_semaphore, #tpu.memory_space<semaphore_mem>>)
      %dma_start3A_31 = arith.constant 0 : i32
      %dma_start3A_32 = arith.constant 0 : i32
      %dma_start3A_33 = tpu.memref_slice %arg3[%dma_start3A_31, %dma_start3A_32] : memref<10000x256xf32, #tpu.memory_space<hbm>> -> memref<10000x256xf32, #tpu.memory_space<hbm>>
      tpu.enqueue_indirect_dma source(%dma_start3A_33 : memref<10000x256xf32, #tpu.memory_space<hbm>>) target(%arg15 : memref<80x256xf32, #tpu.memory_space<vmem>>) offsets(%arg13 : memref<80xi32, #tpu.memory_space<vmem>>) semaphore(%arg19 : memref<!tpu.dma_semaphore, #tpu.memory_space<semaphore_mem>>)
      %dma_wait3A = arith.constant 0 : i32
      %dma_wait3A_34 = arith.constant 0 : i32
      %dma_wait3A_35 = tpu.memref_slice %arg2[%dma_wait3A, %dma_wait3A_34] : memref<10000x128xf32, #tpu.memory_space<hbm>> -> memref<10000x128xf32, #tpu.memory_space<hbm>>
      tpu.wait_indirect_dma semaphore(%arg18 : memref<!tpu.dma_semaphore, #tpu.memory_space<semaphore_mem>>) src(%dma_wait3A_35 : memref<10000x128xf32, #tpu.memory_space<hbm>>) dst(%arg14 : memref<80x128xf32, #tpu.memory_space<vmem>>)
      %dma_wait3A_36 = arith.constant 0 : i32
      %dma_wait3A_37 = arith.constant 0 : i32
      %dma_wait3A_38 = tpu.memref_slice %arg3[%dma_wait3A_36, %dma_wait3A_37] : memref<10000x256xf32, #tpu.memory_space<hbm>> -> memref<10000x256xf32, #tpu.memory_space<hbm>>
      tpu.wait_indirect_dma semaphore(%arg19 : memref<!tpu.dma_semaphore, #tpu.memory_space<semaphore_mem>>) src(%dma_wait3A_38 : memref<10000x256xf32, #tpu.memory_space<hbm>>) dst(%arg15 : memref<80x256xf32, #tpu.memory_space<vmem>>)
      %scan3A_39 = arith.constant 0 : i32
      %scan3A_40 = arith.constant 0 : i32
      %scan3A_41 = arith.constant 5 : i32
      %scan3A_42 = arith.addi %scan3A_40, %scan3A_41 : i32
      %scan3A_43 = arith.constant 1 : i32
      %scan3A_44 = scf.for %scan3A_46 = %scan3A_40 to %scan3A_42 step %scan3A_43 iter_args(%scan3A_47 = %scan3A_39) -> (i32)  : i32 {
        %mul3A_48 = arith.constant 16 : i32
        %mul3A_49 = arith.muli %scan3A_46, %mul3A_48 : i32
        %add3A_50 = vector.broadcast %mul3A_49 : i32 to vector<16xi32>
        %add3A_51 = arith.addi %add3A_50, %iota3A : vector<16xi32>
        %scan3A_52 = arith.constant 0 : i32
        %scan3A_53 = arith.constant 0 : i32
        %scan3A_54 = arith.constant 8 : i32
        %scan3A_55 = arith.addi %scan3A_53, %scan3A_54 : i32
        %scan3A_56 = arith.constant 1 : i32
        %scan3A_57 = scf.for %scan3A_60 = %scan3A_53 to %scan3A_55 step %scan3A_56 iter_args(%scan3A_61 = %scan3A_52) -> (i32)  : i32 {
          %mul3A_62 = arith.constant 16 : i32
          %mul3A_63 = arith.muli %scan3A_60, %mul3A_62 : i32
          %broadcast_in_dim3A = arith.constant 0.000000e+00 : f32
          %broadcast_in_dim3A_64 = vector.broadcast %broadcast_in_dim3A : f32 to vector<16xf32>
          %add3A_65 = arith.constant 0 : i32
          %add3A_66 = arith.addi %mul3A_63, %add3A_65 : i32
          %broadcast_in_dim3A_67 = vector.broadcast %add3A_66 : i32 to vector<16xi32>
          %gather3A = tpu.vector_load_idx %arg14[%add3A_51, %broadcast_in_dim3A_67] : memref<80x128xf32, #tpu.memory_space<vmem>>[vector<16xi32>, vector<16xi32>], vector<16xf32>,
          %gather3A_68 = tpu.vector_load_idx %arg15[%add3A_51, %broadcast_in_dim3A_67] : memref<80x256xf32, #tpu.memory_space<vmem>>[vector<16xi32>, vector<16xi32>], vector<16xf32>,
          %mul3A_69 = arith.mulf %gather3A, %gather3A_68 : vector<16xf32>
          %add3A_70 = arith.addf %broadcast_in_dim3A_64, %mul3A_69 : vector<16xf32>
          %add3A_71 = arith.constant 1 : i32
          %add3A_72 = arith.addi %mul3A_63, %add3A_71 : i32
          %broadcast_in_dim3A_73 = vector.broadcast %add3A_72 : i32 to vector<16xi32>
          %gather3A_74 = tpu.vector_load_idx %arg14[%add3A_51, %broadcast_in_dim3A_73] : memref<80x128xf32, #tpu.memory_space<vmem>>[vector<16xi32>, vector<16xi32>], vector<16xf32>,
          %gather3A_75 = tpu.vector_load_idx %arg15[%add3A_51, %broadcast_in_dim3A_73] : memref<80x256xf32, #tpu.memory_space<vmem>>[vector<16xi32>, vector<16xi32>], vector<16xf32>,
          %mul3A_76 = arith.mulf %gather3A_74, %gather3A_75 : vector<16xf32>
          %add3A_77 = arith.addf %add3A_70, %mul3A_76 : vector<16xf32>
          %add3A_78 = arith.constant 2 : i32
          %add3A_79 = arith.addi %mul3A_63, %add3A_78 : i32
          %broadcast_in_dim3A_80 = vector.broadcast %add3A_79 : i32 to vector<16xi32>
          %gather3A_81 = tpu.vector_load_idx %arg14[%add3A_51, %broadcast_in_dim3A_80] : memref<80x128xf32, #tpu.memory_space<vmem>>[vector<16xi32>, vector<16xi32>], vector<16xf32>,
          %gather3A_82 = tpu.vector_load_idx %arg15[%add3A_51, %broadcast_in_dim3A_80] : memref<80x256xf32, #tpu.memory_space<vmem>>[vector<16xi32>, vector<16xi32>], vector<16xf32>,
          %mul3A_83 = arith.mulf %gather3A_81, %gather3A_82 : vector<16xf32>
          %add3A_84 = arith.addf %add3A_77, %mul3A_83 : vector<16xf32>
          %add3A_85 = arith.constant 3 : i32
          %add3A_86 = arith.addi %mul3A_63, %add3A_85 : i32
          %broadcast_in_dim3A_87 = vector.broadcast %add3A_86 : i32 to vector<16xi32>
          %gather3A_88 = tpu.vector_load_idx %arg14[%add3A_51, %broadcast_in_dim3A_87] : memref<80x128xf32, #tpu.memory_space<vmem>>[vector<16xi32>, vector<16xi32>], vector<16xf32>,
          %gather3A_89 = tpu.vector_load_idx %arg15[%add3A_51, %broadcast_in_dim3A_87] : memref<80x256xf32, #tpu.memory_space<vmem>>[vector<16xi32>, vector<16xi32>], vector<16xf32>,
          %mul3A_90 = arith.mulf %gather3A_88, %gather3A_89 : vector<16xf32>
          %add3A_91 = arith.addf %add3A_84, %mul3A_90 : vector<16xf32>
          %add3A_92 = arith.constant 4 : i32
          %add3A_93 = arith.addi %mul3A_63, %add3A_92 : i32
          %broadcast_in_dim3A_94 = vector.broadcast %add3A_93 : i32 to vector<16xi32>
          %gather3A_95 = tpu.vector_load_idx %arg14[%add3A_51, %broadcast_in_dim3A_94] : memref<80x128xf32, #tpu.memory_space<vmem>>[vector<16xi32>, vector<16xi32>], vector<16xf32>,
          %gather3A_96 = tpu.vector_load_idx %arg15[%add3A_51, %broadcast_in_dim3A_94] : memref<80x256xf32, #tpu.memory_space<vmem>>[vector<16xi32>, vector<16xi32>], vector<16xf32>,
          %mul3A_97 = arith.mulf %gather3A_95, %gather3A_96 : vector<16xf32>
          %add3A_98 = arith.addf %add3A_91, %mul3A_97 : vector<16xf32>
          %add3A_99 = arith.constant 5 : i32
          %add3A_100 = arith.addi %mul3A_63, %add3A_99 : i32
          %broadcast_in_dim3A_101 = vector.broadcast %add3A_100 : i32 to vector<16xi32>
          %gather3A_102 = tpu.vector_load_idx %arg14[%add3A_51, %broadcast_in_dim3A_101] : memref<80x128xf32, #tpu.memory_space<vmem>>[vector<16xi32>, vector<16xi32>], vector<16xf32>,
          %gather3A_103 = tpu.vector_load_idx %arg15[%add3A_51, %broadcast_in_dim3A_101] : memref<80x256xf32, #tpu.memory_space<vmem>>[vector<16xi32>, vector<16xi32>], vector<16xf32>,
          %mul3A_104 = arith.mulf %gather3A_102, %gather3A_103 : vector<16xf32>
          %add3A_105 = arith.addf %add3A_98, %mul3A_104 : vector<16xf32>
          %add3A_106 = arith.constant 6 : i32
          %add3A_107 = arith.addi %mul3A_63, %add3A_106 : i32
          %broadcast_in_dim3A_108 = vector.broadcast %add3A_107 : i32 to vector<16xi32>
          %gather3A_109 = tpu.vector_load_idx %arg14[%add3A_51, %broadcast_in_dim3A_108] : memref<80x128xf32, #tpu.memory_space<vmem>>[vector<16xi32>, vector<16xi32>], vector<16xf32>,
          %gather3A_110 = tpu.vector_load_idx %arg15[%add3A_51, %broadcast_in_dim3A_108] : memref<80x256xf32, #tpu.memory_space<vmem>>[vector<16xi32>, vector<16xi32>], vector<16xf32>,
          %mul3A_111 = arith.mulf %gather3A_109, %gather3A_110 : vector<16xf32>
          %add3A_112 = arith.addf %add3A_105, %mul3A_111 : vector<16xf32>
          %add3A_113 = arith.constant 7 : i32
          %add3A_114 = arith.addi %mul3A_63, %add3A_113 : i32
          %broadcast_in_dim3A_115 = vector.broadcast %add3A_114 : i32 to vector<16xi32>
          %gather3A_116 = tpu.vector_load_idx %arg14[%add3A_51, %broadcast_in_dim3A_115] : memref<80x128xf32, #tpu.memory_space<vmem>>[vector<16xi32>, vector<16xi32>], vector<16xf32>,
          %gather3A_117 = tpu.vector_load_idx %arg15[%add3A_51, %broadcast_in_dim3A_115] : memref<80x256xf32, #tpu.memory_space<vmem>>[vector<16xi32>, vector<16xi32>], vector<16xf32>,
          %mul3A_118 = arith.mulf %gather3A_116, %gather3A_117 : vector<16xf32>
          %add3A_119 = arith.addf %add3A_112, %mul3A_118 : vector<16xf32>
          %add3A_120 = arith.constant 8 : i32
          %add3A_121 = arith.addi %mul3A_63, %add3A_120 : i32
          %broadcast_in_dim3A_122 = vector.broadcast %add3A_121 : i32 to vector<16xi32>
          %gather3A_123 = tpu.vector_load_idx %arg14[%add3A_51, %broadcast_in_dim3A_122] : memref<80x128xf32, #tpu.memory_space<vmem>>[vector<16xi32>, vector<16xi32>], vector<16xf32>,
          %gather3A_124 = tpu.vector_load_idx %arg15[%add3A_51, %broadcast_in_dim3A_122] : memref<80x256xf32, #tpu.memory_space<vmem>>[vector<16xi32>, vector<16xi32>], vector<16xf32>,
          %mul3A_125 = arith.mulf %gather3A_123, %gather3A_124 : vector<16xf32>
          %add3A_126 = arith.addf %add3A_119, %mul3A_125 : vector<16xf32>
          %add3A_127 = arith.constant 9 : i32
          %add3A_128 = arith.addi %mul3A_63, %add3A_127 : i32
          %broadcast_in_dim3A_129 = vector.broadcast %add3A_128 : i32 to vector<16xi32>
          %gather3A_130 = tpu.vector_load_idx %arg14[%add3A_51, %broadcast_in_dim3A_129] : memref<80x128xf32, #tpu.memory_space<vmem>>[vector<16xi32>, vector<16xi32>], vector<16xf32>,
          %gather3A_131 = tpu.vector_load_idx %arg15[%add3A_51, %broadcast_in_dim3A_129] : memref<80x256xf32, #tpu.memory_space<vmem>>[vector<16xi32>, vector<16xi32>], vector<16xf32>,
          %mul3A_132 = arith.mulf %gather3A_130, %gather3A_131 : vector<16xf32>
          %add3A_133 = arith.addf %add3A_126, %mul3A_132 : vector<16xf32>
          %add3A_134 = arith.constant 10 : i32
          %add3A_135 = arith.addi %mul3A_63, %add3A_134 : i32
          %broadcast_in_dim3A_136 = vector.broadcast %add3A_135 : i32 to vector<16xi32>
          %gather3A_137 = tpu.vector_load_idx %arg14[%add3A_51, %broadcast_in_dim3A_136] : memref<80x128xf32, #tpu.memory_space<vmem>>[vector<16xi32>, vector<16xi32>], vector<16xf32>,
          %gather3A_138 = tpu.vector_load_idx %arg15[%add3A_51, %broadcast_in_dim3A_136] : memref<80x256xf32, #tpu.memory_space<vmem>>[vector<16xi32>, vector<16xi32>], vector<16xf32>,
          %mul3A_139 = arith.mulf %gather3A_137, %gather3A_138 : vector<16xf32>
          %add3A_140 = arith.addf %add3A_133, %mul3A_139 : vector<16xf32>
          %add3A_141 = arith.constant 11 : i32
          %add3A_142 = arith.addi %mul3A_63, %add3A_141 : i32
          %broadcast_in_dim3A_143 = vector.broadcast %add3A_142 : i32 to vector<16xi32>
          %gather3A_144 = tpu.vector_load_idx %arg14[%add3A_51, %broadcast_in_dim3A_143] : memref<80x128xf32, #tpu.memory_space<vmem>>[vector<16xi32>, vector<16xi32>], vector<16xf32>,
          %gather3A_145 = tpu.vector_load_idx %arg15[%add3A_51, %broadcast_in_dim3A_143] : memref<80x256xf32, #tpu.memory_space<vmem>>[vector<16xi32>, vector<16xi32>], vector<16xf32>,
          %mul3A_146 = arith.mulf %gather3A_144, %gather3A_145 : vector<16xf32>
          %add3A_147 = arith.addf %add3A_140, %mul3A_146 : vector<16xf32>
          %add3A_148 = arith.constant 12 : i32
          %add3A_149 = arith.addi %mul3A_63, %add3A_148 : i32
          %broadcast_in_dim3A_150 = vector.broadcast %add3A_149 : i32 to vector<16xi32>
          %gather3A_151 = tpu.vector_load_idx %arg14[%add3A_51, %broadcast_in_dim3A_150] : memref<80x128xf32, #tpu.memory_space<vmem>>[vector<16xi32>, vector<16xi32>], vector<16xf32>,
          %gather3A_152 = tpu.vector_load_idx %arg15[%add3A_51, %broadcast_in_dim3A_150] : memref<80x256xf32, #tpu.memory_space<vmem>>[vector<16xi32>, vector<16xi32>], vector<16xf32>,
          %mul3A_153 = arith.mulf %gather3A_151, %gather3A_152 : vector<16xf32>
          %add3A_154 = arith.addf %add3A_147, %mul3A_153 : vector<16xf32>
          %add3A_155 = arith.constant 13 : i32
          %add3A_156 = arith.addi %mul3A_63, %add3A_155 : i32
          %broadcast_in_dim3A_157 = vector.broadcast %add3A_156 : i32 to vector<16xi32>
          %gather3A_158 = tpu.vector_load_idx %arg14[%add3A_51, %broadcast_in_dim3A_157] : memref<80x128xf32, #tpu.memory_space<vmem>>[vector<16xi32>, vector<16xi32>], vector<16xf32>,
          %gather3A_159 = tpu.vector_load_idx %arg15[%add3A_51, %broadcast_in_dim3A_157] : memref<80x256xf32, #tpu.memory_space<vmem>>[vector<16xi32>, vector<16xi32>], vector<16xf32>,
          %mul3A_160 = arith.mulf %gather3A_158, %gather3A_159 : vector<16xf32>
          %add3A_161 = arith.addf %add3A_154, %mul3A_160 : vector<16xf32>
          %add3A_162 = arith.constant 14 : i32
          %add3A_163 = arith.addi %mul3A_63, %add3A_162 : i32
          %broadcast_in_dim3A_164 = vector.broadcast %add3A_163 : i32 to vector<16xi32>
          %gather3A_165 = tpu.vector_load_idx %arg14[%add3A_51, %broadcast_in_dim3A_164] : memref<80x128xf32, #tpu.memory_space<vmem>>[vector<16xi32>, vector<16xi32>], vector<16xf32>,
          %gather3A_166 = tpu.vector_load_idx %arg15[%add3A_51, %broadcast_in_dim3A_164] : memref<80x256xf32, #tpu.memory_space<vmem>>[vector<16xi32>, vector<16xi32>], vector<16xf32>,
          %mul3A_167 = arith.mulf %gather3A_165, %gather3A_166 : vector<16xf32>
          %add3A_168 = arith.addf %add3A_161, %mul3A_167 : vector<16xf32>
          %add3A_169 = arith.constant 15 : i32
          %add3A_170 = arith.addi %mul3A_63, %add3A_169 : i32
          %broadcast_in_dim3A_171 = vector.broadcast %add3A_170 : i32 to vector<16xi32>
          %gather3A_172 = tpu.vector_load_idx %arg14[%add3A_51, %broadcast_in_dim3A_171] : memref<80x128xf32, #tpu.memory_space<vmem>>[vector<16xi32>, vector<16xi32>], vector<16xf32>,
          %gather3A_173 = tpu.vector_load_idx %arg15[%add3A_51, %broadcast_in_dim3A_171] : memref<80x256xf32, #tpu.memory_space<vmem>>[vector<16xi32>, vector<16xi32>], vector<16xf32>,
          %mul3A_174 = arith.mulf %gather3A_172, %gather3A_173 : vector<16xf32>
          %add3A_175 = arith.addf %add3A_168, %mul3A_174 : vector<16xf32>
          %exp3A = math.exp %add3A_175 : vector<16xf32>
          %broadcast_in_dim3A_176 = vector.broadcast %scan3A_60 : i32 to vector<16xi32>
          tpu.vector_store_idx %arg17[%add3A_51, %broadcast_in_dim3A_176], %exp3A : memref<80x8xf32, #tpu.memory_space<vmem>>[vector<16xi32>, vector<16xi32>], vector<16xf32>,
          %mul3A_177 = arith.constant 16 : i32
          %mul3A_178 = arith.muli %scan3A_46, %mul3A_177 : i32
          %add3A_179 = arith.constant 0 : i32
          %add3A_180 = arith.addi %mul3A_178, %add3A_179 : i32
          %slice3A = vector.extract_strided_slice %exp3A {offsets = [0], sizes = [1], strides = [1]} : vector<16xf32> to vector<1xf32>
          %squeeze3A = vector.extract %slice3A[0] : f32 from vector<1xf32>
          %broadcast_in_dim3A_181 = vector.broadcast %squeeze3A : f32 to vector<16xf32>
          %add3A_182 = arith.constant 128 : i32
          %add3A_183 = arith.addi %add3A_182, %mul3A_63 : i32
          %get3A = arith.index_cast %add3A_180 : i32 to index
          %get3A_184 = arith.index_cast %add3A_183 : i32 to index
          %get3A_185 = tpu.vector_load %arg15[%get3A, %get3A_184] {strides = array<i32>} : memref<80x256xf32, #tpu.memory_space<vmem>>, vector<16xf32>,
          %mul3A_186 = arith.mulf %get3A_185, %broadcast_in_dim3A_181 : vector<16xf32>
          %swap3A = arith.index_cast %add3A_180 : i32 to index
          %swap3A_187 = arith.index_cast %mul3A_63 : i32 to index
          %swap3A_188 = tpu.vector_load %arg16[%swap3A, %swap3A_187] {strides = array<i32>} : memref<80x128xf32, #tpu.memory_space<vmem>>, vector<16xf32>,
          tpu.vector_store %arg16[%swap3A, %swap3A_187], %mul3A_186 {strides = array<i32>} : memref<80x128xf32, #tpu.memory_space<vmem>>, vector<16xf32>,
          %mul3A_189 = arith.constant 16 : i32
          %mul3A_190 = arith.muli %scan3A_46, %mul3A_189 : i32
          %add3A_191 = arith.constant 1 : i32
          %add3A_192 = arith.addi %mul3A_190, %add3A_191 : i32
          %slice3A_193 = vector.extract_strided_slice %exp3A {offsets = [1], sizes = [1], strides = [1]} : vector<16xf32> to vector<1xf32>
          %squeeze3A_194 = vector.extract %slice3A_193[0] : f32 from vector<1xf32>
          %broadcast_in_dim3A_195 = vector.broadcast %squeeze3A_194 : f32 to vector<16xf32>
          %add3A_196 = arith.constant 128 : i32
          %add3A_197 = arith.addi %add3A_196, %mul3A_63 : i32
          %get3A_198 = arith.index_cast %add3A_192 : i32 to index
          %get3A_199 = arith.index_cast %add3A_197 : i32 to index
          %get3A_200 = tpu.vector_load %arg15[%get3A_198, %get3A_199] {strides = array<i32>} : memref<80x256xf32, #tpu.memory_space<vmem>>, vector<16xf32>,
          %mul3A_201 = arith.mulf %get3A_200, %broadcast_in_dim3A_195 : vector<16xf32>
          %swap3A_202 = arith.index_cast %add3A_192 : i32 to index
          %swap3A_203 = arith.index_cast %mul3A_63 : i32 to index
          %swap3A_204 = tpu.vector_load %arg16[%swap3A_202, %swap3A_203] {strides = array<i32>} : memref<80x128xf32, #tpu.memory_space<vmem>>, vector<16xf32>,
          tpu.vector_store %arg16[%swap3A_202, %swap3A_203], %mul3A_201 {strides = array<i32>} : memref<80x128xf32, #tpu.memory_space<vmem>>, vector<16xf32>,
          %mul3A_205 = arith.constant 16 : i32
          %mul3A_206 = arith.muli %scan3A_46, %mul3A_205 : i32
          %add3A_207 = arith.constant 2 : i32
          %add3A_208 = arith.addi %mul3A_206, %add3A_207 : i32
          %slice3A_209 = vector.extract_strided_slice %exp3A {offsets = [2], sizes = [1], strides = [1]} : vector<16xf32> to vector<1xf32>
          %squeeze3A_210 = vector.extract %slice3A_209[0] : f32 from vector<1xf32>
          %broadcast_in_dim3A_211 = vector.broadcast %squeeze3A_210 : f32 to vector<16xf32>
          %add3A_212 = arith.constant 128 : i32
          %add3A_213 = arith.addi %add3A_212, %mul3A_63 : i32
          %get3A_214 = arith.index_cast %add3A_208 : i32 to index
          %get3A_215 = arith.index_cast %add3A_213 : i32 to index
          %get3A_216 = tpu.vector_load %arg15[%get3A_214, %get3A_215] {strides = array<i32>} : memref<80x256xf32, #tpu.memory_space<vmem>>, vector<16xf32>,
          %mul3A_217 = arith.mulf %get3A_216, %broadcast_in_dim3A_211 : vector<16xf32>
          %swap3A_218 = arith.index_cast %add3A_208 : i32 to index
          %swap3A_219 = arith.index_cast %mul3A_63 : i32 to index
          %swap3A_220 = tpu.vector_load %arg16[%swap3A_218, %swap3A_219] {strides = array<i32>} : memref<80x128xf32, #tpu.memory_space<vmem>>, vector<16xf32>,
          tpu.vector_store %arg16[%swap3A_218, %swap3A_219], %mul3A_217 {strides = array<i32>} : memref<80x128xf32, #tpu.memory_space<vmem>>, vector<16xf32>,
          %mul3A_221 = arith.constant 16 : i32
          %mul3A_222 = arith.muli %scan3A_46, %mul3A_221 : i32
          %add3A_223 = arith.constant 3 : i32
          %add3A_224 = arith.addi %mul3A_222, %add3A_223 : i32
          %slice3A_225 = vector.extract_strided_slice %exp3A {offsets = [3], sizes = [1], strides = [1]} : vector<16xf32> to vector<1xf32>
          %squeeze3A_226 = vector.extract %slice3A_225[0] : f32 from vector<1xf32>
          %broadcast_in_dim3A_227 = vector.broadcast %squeeze3A_226 : f32 to vector<16xf32>
          %add3A_228 = arith.constant 128 : i32
          %add3A_229 = arith.addi %add3A_228, %mul3A_63 : i32
          %get3A_230 = arith.index_cast %add3A_224 : i32 to index
          %get3A_231 = arith.index_cast %add3A_229 : i32 to index
          %get3A_232 = tpu.vector_load %arg15[%get3A_230, %get3A_231] {strides = array<i32>} : memref<80x256xf32, #tpu.memory_space<vmem>>, vector<16xf32>,
          %mul3A_233 = arith.mulf %get3A_232, %broadcast_in_dim3A_227 : vector<16xf32>
          %swap3A_234 = arith.index_cast %add3A_224 : i32 to index
          %swap3A_235 = arith.index_cast %mul3A_63 : i32 to index
          %swap3A_236 = tpu.vector_load %arg16[%swap3A_234, %swap3A_235] {strides = array<i32>} : memref<80x128xf32, #tpu.memory_space<vmem>>, vector<16xf32>,
          tpu.vector_store %arg16[%swap3A_234, %swap3A_235], %mul3A_233 {strides = array<i32>} : memref<80x128xf32, #tpu.memory_space<vmem>>, vector<16xf32>,
          %mul3A_237 = arith.constant 16 : i32
          %mul3A_238 = arith.muli %scan3A_46, %mul3A_237 : i32
          %add3A_239 = arith.constant 4 : i32
          %add3A_240 = arith.addi %mul3A_238, %add3A_239 : i32
          %slice3A_241 = vector.extract_strided_slice %exp3A {offsets = [4], sizes = [1], strides = [1]} : vector<16xf32> to vector<1xf32>
          %squeeze3A_242 = vector.extract %slice3A_241[0] : f32 from vector<1xf32>
          %broadcast_in_dim3A_243 = vector.broadcast %squeeze3A_242 : f32 to vector<16xf32>
          %add3A_244 = arith.constant 128 : i32
          %add3A_245 = arith.addi %add3A_244, %mul3A_63 : i32
          %get3A_246 = arith.index_cast %add3A_240 : i32 to index
          %get3A_247 = arith.index_cast %add3A_245 : i32 to index
          %get3A_248 = tpu.vector_load %arg15[%get3A_246, %get3A_247] {strides = array<i32>} : memref<80x256xf32, #tpu.memory_space<vmem>>, vector<16xf32>,
          %mul3A_249 = arith.mulf %get3A_248, %broadcast_in_dim3A_243 : vector<16xf32>
          %swap3A_250 = arith.index_cast %add3A_240 : i32 to index
          %swap3A_251 = arith.index_cast %mul3A_63 : i32 to index
          %swap3A_252 = tpu.vector_load %arg16[%swap3A_250, %swap3A_251] {strides = array<i32>} : memref<80x128xf32, #tpu.memory_space<vmem>>, vector<16xf32>,
          tpu.vector_store %arg16[%swap3A_250, %swap3A_251], %mul3A_249 {strides = array<i32>} : memref<80x128xf32, #tpu.memory_space<vmem>>, vector<16xf32>,
          %mul3A_253 = arith.constant 16 : i32
          %mul3A_254 = arith.muli %scan3A_46, %mul3A_253 : i32
          %add3A_255 = arith.constant 5 : i32
          %add3A_256 = arith.addi %mul3A_254, %add3A_255 : i32
          %slice3A_257 = vector.extract_strided_slice %exp3A {offsets = [5], sizes = [1], strides = [1]} : vector<16xf32> to vector<1xf32>
          %squeeze3A_258 = vector.extract %slice3A_257[0] : f32 from vector<1xf32>
          %broadcast_in_dim3A_259 = vector.broadcast %squeeze3A_258 : f32 to vector<16xf32>
          %add3A_260 = arith.constant 128 : i32
          %add3A_261 = arith.addi %add3A_260, %mul3A_63 : i32
          %get3A_262 = arith.index_cast %add3A_256 : i32 to index
          %get3A_263 = arith.index_cast %add3A_261 : i32 to index
          %get3A_264 = tpu.vector_load %arg15[%get3A_262, %get3A_263] {strides = array<i32>} : memref<80x256xf32, #tpu.memory_space<vmem>>, vector<16xf32>,
          %mul3A_265 = arith.mulf %get3A_264, %broadcast_in_dim3A_259 : vector<16xf32>
          %swap3A_266 = arith.index_cast %add3A_256 : i32 to index
          %swap3A_267 = arith.index_cast %mul3A_63 : i32 to index
          %swap3A_268 = tpu.vector_load %arg16[%swap3A_266, %swap3A_267] {strides = array<i32>} : memref<80x128xf32, #tpu.memory_space<vmem>>, vector<16xf32>,
          tpu.vector_store %arg16[%swap3A_266, %swap3A_267], %mul3A_265 {strides = array<i32>} : memref<80x128xf32, #tpu.memory_space<vmem>>, vector<16xf32>,
          %mul3A_269 = arith.constant 16 : i32
          %mul3A_270 = arith.muli %scan3A_46, %mul3A_269 : i32
          %add3A_271 = arith.constant 6 : i32
          %add3A_272 = arith.addi %mul3A_270, %add3A_271 : i32
          %slice3A_273 = vector.extract_strided_slice %exp3A {offsets = [6], sizes = [1], strides = [1]} : vector<16xf32> to vector<1xf32>
          %squeeze3A_274 = vector.extract %slice3A_273[0] : f32 from vector<1xf32>
          %broadcast_in_dim3A_275 = vector.broadcast %squeeze3A_274 : f32 to vector<16xf32>
          %add3A_276 = arith.constant 128 : i32
          %add3A_277 = arith.addi %add3A_276, %mul3A_63 : i32
          %get3A_278 = arith.index_cast %add3A_272 : i32 to index
          %get3A_279 = arith.index_cast %add3A_277 : i32 to index
          %get3A_280 = tpu.vector_load %arg15[%get3A_278, %get3A_279] {strides = array<i32>} : memref<80x256xf32, #tpu.memory_space<vmem>>, vector<16xf32>,
          %mul3A_281 = arith.mulf %get3A_280, %broadcast_in_dim3A_275 : vector<16xf32>
          %swap3A_282 = arith.index_cast %add3A_272 : i32 to index
          %swap3A_283 = arith.index_cast %mul3A_63 : i32 to index
          %swap3A_284 = tpu.vector_load %arg16[%swap3A_282, %swap3A_283] {strides = array<i32>} : memref<80x128xf32, #tpu.memory_space<vmem>>, vector<16xf32>,
          tpu.vector_store %arg16[%swap3A_282, %swap3A_283], %mul3A_281 {strides = array<i32>} : memref<80x128xf32, #tpu.memory_space<vmem>>, vector<16xf32>,
          %mul3A_285 = arith.constant 16 : i32
          %mul3A_286 = arith.muli %scan3A_46, %mul3A_285 : i32
          %add3A_287 = arith.constant 7 : i32
          %add3A_288 = arith.addi %mul3A_286, %add3A_287 : i32
          %slice3A_289 = vector.extract_strided_slice %exp3A {offsets = [7], sizes = [1], strides = [1]} : vector<16xf32> to vector<1xf32>
          %squeeze3A_290 = vector.extract %slice3A_289[0] : f32 from vector<1xf32>
          %broadcast_in_dim3A_291 = vector.broadcast %squeeze3A_290 : f32 to vector<16xf32>
          %add3A_292 = arith.constant 128 : i32
          %add3A_293 = arith.addi %add3A_292, %mul3A_63 : i32
          %get3A_294 = arith.index_cast %add3A_288 : i32 to index
          %get3A_295 = arith.index_cast %add3A_293 : i32 to index
          %get3A_296 = tpu.vector_load %arg15[%get3A_294, %get3A_295] {strides = array<i32>} : memref<80x256xf32, #tpu.memory_space<vmem>>, vector<16xf32>,
          %mul3A_297 = arith.mulf %get3A_296, %broadcast_in_dim3A_291 : vector<16xf32>
          %swap3A_298 = arith.index_cast %add3A_288 : i32 to index
          %swap3A_299 = arith.index_cast %mul3A_63 : i32 to index
          %swap3A_300 = tpu.vector_load %arg16[%swap3A_298, %swap3A_299] {strides = array<i32>} : memref<80x128xf32, #tpu.memory_space<vmem>>, vector<16xf32>,
          tpu.vector_store %arg16[%swap3A_298, %swap3A_299], %mul3A_297 {strides = array<i32>} : memref<80x128xf32, #tpu.memory_space<vmem>>, vector<16xf32>,
          %mul3A_301 = arith.constant 16 : i32
          %mul3A_302 = arith.muli %scan3A_46, %mul3A_301 : i32
          %add3A_303 = arith.constant 8 : i32
          %add3A_304 = arith.addi %mul3A_302, %add3A_303 : i32
          %slice3A_305 = vector.extract_strided_slice %exp3A {offsets = [8], sizes = [1], strides = [1]} : vector<16xf32> to vector<1xf32>
          %squeeze3A_306 = vector.extract %slice3A_305[0] : f32 from vector<1xf32>
          %broadcast_in_dim3A_307 = vector.broadcast %squeeze3A_306 : f32 to vector<16xf32>
          %add3A_308 = arith.constant 128 : i32
          %add3A_309 = arith.addi %add3A_308, %mul3A_63 : i32
          %get3A_310 = arith.index_cast %add3A_304 : i32 to index
          %get3A_311 = arith.index_cast %add3A_309 : i32 to index
          %get3A_312 = tpu.vector_load %arg15[%get3A_310, %get3A_311] {strides = array<i32>} : memref<80x256xf32, #tpu.memory_space<vmem>>, vector<16xf32>,
          %mul3A_313 = arith.mulf %get3A_312, %broadcast_in_dim3A_307 : vector<16xf32>
          %swap3A_314 = arith.index_cast %add3A_304 : i32 to index
          %swap3A_315 = arith.index_cast %mul3A_63 : i32 to index
          %swap3A_316 = tpu.vector_load %arg16[%swap3A_314, %swap3A_315] {strides = array<i32>} : memref<80x128xf32, #tpu.memory_space<vmem>>, vector<16xf32>,
          tpu.vector_store %arg16[%swap3A_314, %swap3A_315], %mul3A_313 {strides = array<i32>} : memref<80x128xf32, #tpu.memory_space<vmem>>, vector<16xf32>,
          %mul3A_317 = arith.constant 16 : i32
          %mul3A_318 = arith.muli %scan3A_46, %mul3A_317 : i32
          %add3A_319 = arith.constant 9 : i32
          %add3A_320 = arith.addi %mul3A_318, %add3A_319 : i32
          %slice3A_321 = vector.extract_strided_slice %exp3A {offsets = [9], sizes = [1], strides = [1]} : vector<16xf32> to vector<1xf32>
          %squeeze3A_322 = vector.extract %slice3A_321[0] : f32 from vector<1xf32>
          %broadcast_in_dim3A_323 = vector.broadcast %squeeze3A_322 : f32 to vector<16xf32>
          %add3A_324 = arith.constant 128 : i32
          %add3A_325 = arith.addi %add3A_324, %mul3A_63 : i32
          %get3A_326 = arith.index_cast %add3A_320 : i32 to index
          %get3A_327 = arith.index_cast %add3A_325 : i32 to index
          %get3A_328 = tpu.vector_load %arg15[%get3A_326, %get3A_327] {strides = array<i32>} : memref<80x256xf32, #tpu.memory_space<vmem>>, vector<16xf32>,
          %mul3A_329 = arith.mulf %get3A_328, %broadcast_in_dim3A_323 : vector<16xf32>
          %swap3A_330 = arith.index_cast %add3A_320 : i32 to index
          %swap3A_331 = arith.index_cast %mul3A_63 : i32 to index
          %swap3A_332 = tpu.vector_load %arg16[%swap3A_330, %swap3A_331] {strides = array<i32>} : memref<80x128xf32, #tpu.memory_space<vmem>>, vector<16xf32>,
          tpu.vector_store %arg16[%swap3A_330, %swap3A_331], %mul3A_329 {strides = array<i32>} : memref<80x128xf32, #tpu.memory_space<vmem>>, vector<16xf32>,
          %mul3A_333 = arith.constant 16 : i32
          %mul3A_334 = arith.muli %scan3A_46, %mul3A_333 : i32
          %add3A_335 = arith.constant 10 : i32
          %add3A_336 = arith.addi %mul3A_334, %add3A_335 : i32
          %slice3A_337 = vector.extract_strided_slice %exp3A {offsets = [10], sizes = [1], strides = [1]} : vector<16xf32> to vector<1xf32>
          %squeeze3A_338 = vector.extract %slice3A_337[0] : f32 from vector<1xf32>
          %broadcast_in_dim3A_339 = vector.broadcast %squeeze3A_338 : f32 to vector<16xf32>
          %add3A_340 = arith.constant 128 : i32
          %add3A_341 = arith.addi %add3A_340, %mul3A_63 : i32
          %get3A_342 = arith.index_cast %add3A_336 : i32 to index
          %get3A_343 = arith.index_cast %add3A_341 : i32 to index
          %get3A_344 = tpu.vector_load %arg15[%get3A_342, %get3A_343] {strides = array<i32>} : memref<80x256xf32, #tpu.memory_space<vmem>>, vector<16xf32>,
          %mul3A_345 = arith.mulf %get3A_344, %broadcast_in_dim3A_339 : vector<16xf32>
          %swap3A_346 = arith.index_cast %add3A_336 : i32 to index
          %swap3A_347 = arith.index_cast %mul3A_63 : i32 to index
          %swap3A_348 = tpu.vector_load %arg16[%swap3A_346, %swap3A_347] {strides = array<i32>} : memref<80x128xf32, #tpu.memory_space<vmem>>, vector<16xf32>,
          tpu.vector_store %arg16[%swap3A_346, %swap3A_347], %mul3A_345 {strides = array<i32>} : memref<80x128xf32, #tpu.memory_space<vmem>>, vector<16xf32>,
          %mul3A_349 = arith.constant 16 : i32
          %mul3A_350 = arith.muli %scan3A_46, %mul3A_349 : i32
          %add3A_351 = arith.constant 11 : i32
          %add3A_352 = arith.addi %mul3A_350, %add3A_351 : i32
          %slice3A_353 = vector.extract_strided_slice %exp3A {offsets = [11], sizes = [1], strides = [1]} : vector<16xf32> to vector<1xf32>
          %squeeze3A_354 = vector.extract %slice3A_353[0] : f32 from vector<1xf32>
          %broadcast_in_dim3A_355 = vector.broadcast %squeeze3A_354 : f32 to vector<16xf32>
          %add3A_356 = arith.constant 128 : i32
          %add3A_357 = arith.addi %add3A_356, %mul3A_63 : i32
          %get3A_358 = arith.index_cast %add3A_352 : i32 to index
          %get3A_359 = arith.index_cast %add3A_357 : i32 to index
          %get3A_360 = tpu.vector_load %arg15[%get3A_358, %get3A_359] {strides = array<i32>} : memref<80x256xf32, #tpu.memory_space<vmem>>, vector<16xf32>,
          %mul3A_361 = arith.mulf %get3A_360, %broadcast_in_dim3A_355 : vector<16xf32>
          %swap3A_362 = arith.index_cast %add3A_352 : i32 to index
          %swap3A_363 = arith.index_cast %mul3A_63 : i32 to index
          %swap3A_364 = tpu.vector_load %arg16[%swap3A_362, %swap3A_363] {strides = array<i32>} : memref<80x128xf32, #tpu.memory_space<vmem>>, vector<16xf32>,
          tpu.vector_store %arg16[%swap3A_362, %swap3A_363], %mul3A_361 {strides = array<i32>} : memref<80x128xf32, #tpu.memory_space<vmem>>, vector<16xf32>,
          %mul3A_365 = arith.constant 16 : i32
          %mul3A_366 = arith.muli %scan3A_46, %mul3A_365 : i32
          %add3A_367 = arith.constant 12 : i32
          %add3A_368 = arith.addi %mul3A_366, %add3A_367 : i32
          %slice3A_369 = vector.extract_strided_slice %exp3A {offsets = [12], sizes = [1], strides = [1]} : vector<16xf32> to vector<1xf32>
          %squeeze3A_370 = vector.extract %slice3A_369[0] : f32 from vector<1xf32>
          %broadcast_in_dim3A_371 = vector.broadcast %squeeze3A_370 : f32 to vector<16xf32>
          %add3A_372 = arith.constant 128 : i32
          %add3A_373 = arith.addi %add3A_372, %mul3A_63 : i32
          %get3A_374 = arith.index_cast %add3A_368 : i32 to index
          %get3A_375 = arith.index_cast %add3A_373 : i32 to index
          %get3A_376 = tpu.vector_load %arg15[%get3A_374, %get3A_375] {strides = array<i32>} : memref<80x256xf32, #tpu.memory_space<vmem>>, vector<16xf32>,
          %mul3A_377 = arith.mulf %get3A_376, %broadcast_in_dim3A_371 : vector<16xf32>
          %swap3A_378 = arith.index_cast %add3A_368 : i32 to index
          %swap3A_379 = arith.index_cast %mul3A_63 : i32 to index
          %swap3A_380 = tpu.vector_load %arg16[%swap3A_378, %swap3A_379] {strides = array<i32>} : memref<80x128xf32, #tpu.memory_space<vmem>>, vector<16xf32>,
          tpu.vector_store %arg16[%swap3A_378, %swap3A_379], %mul3A_377 {strides = array<i32>} : memref<80x128xf32, #tpu.memory_space<vmem>>, vector<16xf32>,
          %mul3A_381 = arith.constant 16 : i32
          %mul3A_382 = arith.muli %scan3A_46, %mul3A_381 : i32
          %add3A_383 = arith.constant 13 : i32
          %add3A_384 = arith.addi %mul3A_382, %add3A_383 : i32
          %slice3A_385 = vector.extract_strided_slice %exp3A {offsets = [13], sizes = [1], strides = [1]} : vector<16xf32> to vector<1xf32>
          %squeeze3A_386 = vector.extract %slice3A_385[0] : f32 from vector<1xf32>
          %broadcast_in_dim3A_387 = vector.broadcast %squeeze3A_386 : f32 to vector<16xf32>
          %add3A_388 = arith.constant 128 : i32
          %add3A_389 = arith.addi %add3A_388, %mul3A_63 : i32
          %get3A_390 = arith.index_cast %add3A_384 : i32 to index
          %get3A_391 = arith.index_cast %add3A_389 : i32 to index
          %get3A_392 = tpu.vector_load %arg15[%get3A_390, %get3A_391] {strides = array<i32>} : memref<80x256xf32, #tpu.memory_space<vmem>>, vector<16xf32>,
          %mul3A_393 = arith.mulf %get3A_392, %broadcast_in_dim3A_387 : vector<16xf32>
          %swap3A_394 = arith.index_cast %add3A_384 : i32 to index
          %swap3A_395 = arith.index_cast %mul3A_63 : i32 to index
          %swap3A_396 = tpu.vector_load %arg16[%swap3A_394, %swap3A_395] {strides = array<i32>} : memref<80x128xf32, #tpu.memory_space<vmem>>, vector<16xf32>,
          tpu.vector_store %arg16[%swap3A_394, %swap3A_395], %mul3A_393 {strides = array<i32>} : memref<80x128xf32, #tpu.memory_space<vmem>>, vector<16xf32>,
          %mul3A_397 = arith.constant 16 : i32
          %mul3A_398 = arith.muli %scan3A_46, %mul3A_397 : i32
          %add3A_399 = arith.constant 14 : i32
          %add3A_400 = arith.addi %mul3A_398, %add3A_399 : i32
          %slice3A_401 = vector.extract_strided_slice %exp3A {offsets = [14], sizes = [1], strides = [1]} : vector<16xf32> to vector<1xf32>
          %squeeze3A_402 = vector.extract %slice3A_401[0] : f32 from vector<1xf32>
          %broadcast_in_dim3A_403 = vector.broadcast %squeeze3A_402 : f32 to vector<16xf32>
          %add3A_404 = arith.constant 128 : i32
          %add3A_405 = arith.addi %add3A_404, %mul3A_63 : i32
          %get3A_406 = arith.index_cast %add3A_400 : i32 to index
          %get3A_407 = arith.index_cast %add3A_405 : i32 to index
          %get3A_408 = tpu.vector_load %arg15[%get3A_406, %get3A_407] {strides = array<i32>} : memref<80x256xf32, #tpu.memory_space<vmem>>, vector<16xf32>,
          %mul3A_409 = arith.mulf %get3A_408, %broadcast_in_dim3A_403 : vector<16xf32>
          %swap3A_410 = arith.index_cast %add3A_400 : i32 to index
          %swap3A_411 = arith.index_cast %mul3A_63 : i32 to index
          %swap3A_412 = tpu.vector_load %arg16[%swap3A_410, %swap3A_411] {strides = array<i32>} : memref<80x128xf32, #tpu.memory_space<vmem>>, vector<16xf32>,
          tpu.vector_store %arg16[%swap3A_410, %swap3A_411], %mul3A_409 {strides = array<i32>} : memref<80x128xf32, #tpu.memory_space<vmem>>, vector<16xf32>,
          %mul3A_413 = arith.constant 16 : i32
          %mul3A_414 = arith.muli %scan3A_46, %mul3A_413 : i32
          %add3A_415 = arith.constant 15 : i32
          %add3A_416 = arith.addi %mul3A_414, %add3A_415 : i32
          %slice3A_417 = vector.extract_strided_slice %exp3A {offsets = [15], sizes = [1], strides = [1]} : vector<16xf32> to vector<1xf32>
          %squeeze3A_418 = vector.extract %slice3A_417[0] : f32 from vector<1xf32>
          %broadcast_in_dim3A_419 = vector.broadcast %squeeze3A_418 : f32 to vector<16xf32>
          %add3A_420 = arith.constant 128 : i32
          %add3A_421 = arith.addi %add3A_420, %mul3A_63 : i32
          %get3A_422 = arith.index_cast %add3A_416 : i32 to index
          %get3A_423 = arith.index_cast %add3A_421 : i32 to index
          %get3A_424 = tpu.vector_load %arg15[%get3A_422, %get3A_423] {strides = array<i32>} : memref<80x256xf32, #tpu.memory_space<vmem>>, vector<16xf32>,
          %mul3A_425 = arith.mulf %get3A_424, %broadcast_in_dim3A_419 : vector<16xf32>
          %swap3A_426 = arith.index_cast %add3A_416 : i32 to index
          %swap3A_427 = arith.index_cast %mul3A_63 : i32 to index
          %swap3A_428 = tpu.vector_load %arg16[%swap3A_426, %swap3A_427] {strides = array<i32>} : memref<80x128xf32, #tpu.memory_space<vmem>>, vector<16xf32>,
          tpu.vector_store %arg16[%swap3A_426, %swap3A_427], %mul3A_425 {strides = array<i32>} : memref<80x128xf32, #tpu.memory_space<vmem>>, vector<16xf32>,
          %scan3A_429 = arith.constant 0 : i32
          scf.yield %scan3A_429 : i32
        }
        %scan3A_58 = arith.constant 8 : i32
        %scan3A_59 = arith.constant 0 : i32
        scf.yield %scan3A_59 : i32
      }
      %scan3A_45 = arith.constant 5 : i32
      "tpu.region"() ({
        %run_scoped3A = tpu.sem_alloc : memref<!tpu.dma_semaphore, #tpu.memory_space<semaphore_mem>>
        %dma_start3A_46 = arith.constant 0 : i32
        %dma_start3A_47 = arith.constant 0 : i32
        %dma_start3A_48 = tpu.memref_slice %arg11[%dma_start3A_46, %dma_start3A_47] : memref<10000x8xf32, #tpu.memory_space<vmem_shared>> -> memref<10000x8xf32, #tpu.memory_space<vmem_shared>>
        tpu.enqueue_indirect_dma source(%arg17 : memref<80x8xf32, #tpu.memory_space<vmem>>) target(%dma_start3A_48 : memref<10000x8xf32, #tpu.memory_space<vmem_shared>>) offsets(%arg12 : memref<80xi32, #tpu.memory_space<vmem>>) semaphore(%run_scoped3A : memref<!tpu.dma_semaphore, #tpu.memory_space<semaphore_mem>>) {add = true}
        %dma_wait3A_49 = arith.constant 0 : i32
        %dma_wait3A_50 = arith.constant 0 : i32
        %dma_wait3A_51 = tpu.memref_slice %arg11[%dma_wait3A_49, %dma_wait3A_50] : memref<10000x8xf32, #tpu.memory_space<vmem_shared>> -> memref<10000x8xf32, #tpu.memory_space<vmem_shared>>
        tpu.wait_indirect_dma semaphore(%run_scoped3A : memref<!tpu.dma_semaphore, #tpu.memory_space<semaphore_mem>>) src(%arg17 : memref<80x8xf32, #tpu.memory_space<vmem>>) dst(%dma_wait3A_51 : memref<10000x8xf32, #tpu.memory_space<vmem_shared>>)
        tpu.yield
      }) : () -> ()
      "tpu.region"() ({
        %run_scoped3A = tpu.sem_alloc : memref<!tpu.dma_semaphore, #tpu.memory_space<semaphore_mem>>
        %dma_start3A_46 = arith.constant 0 : i32
        %dma_start3A_47 = arith.constant 0 : i32
        %dma_start3A_48 = tpu.memref_slice %arg10[%dma_start3A_46, %dma_start3A_47] : memref<10000x128xf32, #tpu.memory_space<vmem_shared>> -> memref<10000x128xf32, #tpu.memory_space<vmem_shared>>
        tpu.enqueue_indirect_dma source(%arg16 : memref<80x128xf32, #tpu.memory_space<vmem>>) target(%dma_start3A_48 : memref<10000x128xf32, #tpu.memory_space<vmem_shared>>) offsets(%arg12 : memref<80xi32, #tpu.memory_space<vmem>>) semaphore(%run_scoped3A : memref<!tpu.dma_semaphore, #tpu.memory_space<semaphore_mem>>) {add = true}
        %dma_wait3A_49 = arith.constant 0 : i32
        %dma_wait3A_50 = arith.constant 0 : i32
        %dma_wait3A_51 = tpu.memref_slice %arg10[%dma_wait3A_49, %dma_wait3A_50] : memref<10000x128xf32, #tpu.memory_space<vmem_shared>> -> memref<10000x128xf32, #tpu.memory_space<vmem_shared>>
        tpu.wait_indirect_dma semaphore(%run_scoped3A : memref<!tpu.dma_semaphore, #tpu.memory_space<semaphore_mem>>) src(%arg16 : memref<80x128xf32, #tpu.memory_space<vmem>>) dst(%dma_wait3A_51 : memref<10000x128xf32, #tpu.memory_space<vmem_shared>>)
        tpu.yield
      }) : () -> ()
    }
    %scan3A_13 = arith.constant 125 : i32
    %barrier3A_14 = arith.constant 0 : index
    tpu.barrier barrier_id(%barrier3A_14)
    %mul3A_15 = arith.constant 625 : i32
    %mul3A_16 = arith.muli %arg1, %mul3A_15 : i32
    %mul3A_17 = arith.constant 625 : i32
    %mul3A_18 = arith.muli %arg1, %mul3A_17 : i32
    "tpu.region"() ({
      %run_scoped3A = tpu.sem_alloc : memref<!tpu.dma_semaphore, #tpu.memory_space<semaphore_mem>>
      %dma_start3A = arith.constant 0 : i32
      %dma_start3A_23 = arith.constant 0 : i32
      %dma_start3A_24 = tpu.memref_slice %arg8[%arg0, %dma_start3A, %dma_start3A_23] : memref<2x10000x128xf32, #tpu.memory_space<hbm>> -> memref<1x10000x128xf32, #tpu.memory_space<hbm>>
      %dma_start3A_25 = tpu.memref_squeeze %dma_start3A_24 : memref<1x10000x128xf32, #tpu.memory_space<hbm>> -> memref<10000x128xf32, #tpu.memory_space<hbm>>
      %dma_start3A_26 = arith.constant 0 : i32
      %dma_start3A_27 = tpu.memref_slice %dma_start3A_25[%mul3A_18, %dma_start3A_26] : memref<10000x128xf32, #tpu.memory_space<hbm>> -> memref<625x128xf32, #tpu.memory_space<hbm>>
      %dma_start3A_28 = arith.constant 0 : i32
      %dma_start3A_29 = tpu.memref_slice %arg10[%mul3A_16, %dma_start3A_28] : memref<10000x128xf32, #tpu.memory_space<vmem_shared>> -> memref<625x128xf32, #tpu.memory_space<vmem_shared>>
      tpu.enqueue_dma source(%dma_start3A_29 : memref<625x128xf32, #tpu.memory_space<vmem_shared>>) target(%dma_start3A_27 : memref<625x128xf32, #tpu.memory_space<hbm>>) target_semaphore(%run_scoped3A : memref<!tpu.dma_semaphore, #tpu.memory_space<semaphore_mem>>)
      %dma_wait3A = arith.constant 0 : i32
      %dma_wait3A_30 = arith.constant 0 : i32
      %dma_wait3A_31 = tpu.memref_slice %arg8[%arg0, %dma_wait3A, %dma_wait3A_30] : memref<2x10000x128xf32, #tpu.memory_space<hbm>> -> memref<1x10000x128xf32, #tpu.memory_space<hbm>>
      %dma_wait3A_32 = tpu.memref_squeeze %dma_wait3A_31 : memref<1x10000x128xf32, #tpu.memory_space<hbm>> -> memref<10000x128xf32, #tpu.memory_space<hbm>>
      %dma_wait3A_33 = arith.constant 0 : i32
      %dma_wait3A_34 = tpu.memref_slice %dma_wait3A_32[%mul3A_18, %dma_wait3A_33] : memref<10000x128xf32, #tpu.memory_space<hbm>> -> memref<625x128xf32, #tpu.memory_space<hbm>>
      %dma_wait3A_35 = arith.constant 0 : i32
      %dma_wait3A_36 = tpu.memref_slice %arg10[%mul3A_16, %dma_wait3A_35] : memref<10000x128xf32, #tpu.memory_space<vmem_shared>> -> memref<625x128xf32, #tpu.memory_space<vmem_shared>>
      tpu.wait_dma2 semaphore(%run_scoped3A : memref<!tpu.dma_semaphore, #tpu.memory_space<semaphore_mem>>) src(%dma_wait3A_36 : memref<625x128xf32, #tpu.memory_space<vmem_shared>>) dst(%dma_wait3A_34 : memref<625x128xf32, #tpu.memory_space<hbm>>)
      tpu.yield
    }) : () -> ()
    %mul3A_19 = arith.constant 625 : i32
    %mul3A_20 = arith.muli %arg1, %mul3A_19 : i32
    %mul3A_21 = arith.constant 625 : i32
    %mul3A_22 = arith.muli %arg1, %mul3A_21 : i32
    "tpu.region"() ({
      %run_scoped3A = tpu.sem_alloc : memref<!tpu.dma_semaphore, #tpu.memory_space<semaphore_mem>>
      %dma_start3A = arith.constant 0 : i32
      %dma_start3A_23 = arith.constant 0 : i32
      %dma_start3A_24 = tpu.memref_slice %arg9[%arg0, %dma_start3A, %dma_start3A_23] : memref<2x10000x8xf32, #tpu.memory_space<hbm>> -> memref<1x10000x8xf32, #tpu.memory_space<hbm>>
      %dma_start3A_25 = tpu.memref_squeeze %dma_start3A_24 : memref<1x10000x8xf32, #tpu.memory_space<hbm>> -> memref<10000x8xf32, #tpu.memory_space<hbm>>
      %dma_start3A_26 = arith.constant 0 : i32
      %dma_start3A_27 = tpu.memref_slice %dma_start3A_25[%mul3A_22, %dma_start3A_26] : memref<10000x8xf32, #tpu.memory_space<hbm>> -> memref<625x8xf32, #tpu.memory_space<hbm>>
      %dma_start3A_28 = arith.constant 0 : i32
      %dma_start3A_29 = tpu.memref_slice %arg11[%mul3A_20, %dma_start3A_28] : memref<10000x8xf32, #tpu.memory_space<vmem_shared>> -> memref<625x8xf32, #tpu.memory_space<vmem_shared>>
      tpu.enqueue_dma source(%dma_start3A_29 : memref<625x8xf32, #tpu.memory_space<vmem_shared>>) target(%dma_start3A_27 : memref<625x8xf32, #tpu.memory_space<hbm>>) target_semaphore(%run_scoped3A : memref<!tpu.dma_semaphore, #tpu.memory_space<semaphore_mem>>)
      %dma_wait3A = arith.constant 0 : i32
      %dma_wait3A_30 = arith.constant 0 : i32
      %dma_wait3A_31 = tpu.memref_slice %arg9[%arg0, %dma_wait3A, %dma_wait3A_30] : memref<2x10000x8xf32, #tpu.memory_space<hbm>> -> memref<1x10000x8xf32, #tpu.memory_space<hbm>>
      %dma_wait3A_32 = tpu.memref_squeeze %dma_wait3A_31 : memref<1x10000x8xf32, #tpu.memory_space<hbm>> -> memref<10000x8xf32, #tpu.memory_space<hbm>>
      %dma_wait3A_33 = arith.constant 0 : i32
      %dma_wait3A_34 = tpu.memref_slice %dma_wait3A_32[%mul3A_22, %dma_wait3A_33] : memref<10000x8xf32, #tpu.memory_space<hbm>> -> memref<625x8xf32, #tpu.memory_space<hbm>>
      %dma_wait3A_35 = arith.constant 0 : i32
      %dma_wait3A_36 = tpu.memref_slice %arg11[%mul3A_20, %dma_wait3A_35] : memref<10000x8xf32, #tpu.memory_space<vmem_shared>> -> memref<625x8xf32, #tpu.memory_space<vmem_shared>>
      tpu.wait_dma2 semaphore(%run_scoped3A : memref<!tpu.dma_semaphore, #tpu.memory_space<semaphore_mem>>) src(%dma_wait3A_36 : memref<625x8xf32, #tpu.memory_space<vmem_shared>>) dst(%dma_wait3A_34 : memref<625x8xf32, #tpu.memory_space<hbm>>)
      tpu.yield
    }) : () -> ()
    return
  }
}

module attributes {stable_mosaic.version = 14 : i64} {
  func.func @_proj_body(%arg0: i32, %arg1: memref<1000x128xf32, #tpu.memory_space<vmem>>, %arg2: memref<128x128xf32, #tpu.memory_space<vmem>>, %arg3: memref<1x128xf32, #tpu.memory_space<vmem>>, %arg4: memref<128x128xf32, #tpu.memory_space<vmem>>, %arg5: memref<1x128xf32, #tpu.memory_space<vmem>>, %arg6: memref<128x128xf32, #tpu.memory_space<vmem>>, %arg7: memref<1x128xf32, #tpu.memory_space<vmem>>, %arg8: memref<1000x128xf32, #tpu.memory_space<vmem>>, %arg9: memref<1000x256xf32, #tpu.memory_space<vmem>>) attributes {dimension_semantics = [#tpu.dimension_semantics<arbitrary>], iteration_bounds = array<i64: 10>, scalar_prefetch = 0 : i64, scratch_operands = 0 : i64, tpu.core_type = #tpu.core_type<tc>, window_params = [{transform_indices = @transform_0, window_bounds = array<i64: 1000, 128>}, {pipeline_mode = #tpu.pipeline_mode<synchronous>, transform_indices = @transform_1, window_bounds = array<i64: 128, 128>}, {pipeline_mode = #tpu.pipeline_mode<synchronous>, transform_indices = @transform_2, window_bounds = array<i64: 1, 128>}, {pipeline_mode = #tpu.pipeline_mode<synchronous>, transform_indices = @transform_3, window_bounds = array<i64: 128, 128>}, {pipeline_mode = #tpu.pipeline_mode<synchronous>, transform_indices = @transform_4, window_bounds = array<i64: 1, 128>}, {pipeline_mode = #tpu.pipeline_mode<synchronous>, transform_indices = @transform_5, window_bounds = array<i64: 128, 128>}, {pipeline_mode = #tpu.pipeline_mode<synchronous>, transform_indices = @transform_6, window_bounds = array<i64: 1, 128>}, {transform_indices = @transform_7, window_bounds = array<i64: 1000, 128>}, {transform_indices = @transform_8, window_bounds = array<i64: 1000, 256>}]} {
    %get3A = arith.constant 0 : index
    %get3A_0 = arith.constant 0 : index
    %get3A_1 = vector.load %arg1[%get3A, %get3A_0] : memref<1000x128xf32, #tpu.memory_space<vmem>>, vector<1000x128xf32>
    %get3A_2 = arith.constant 0 : index
    %get3A_3 = arith.constant 0 : index
    %get3A_4 = vector.load %arg2[%get3A_2, %get3A_3] : memref<128x128xf32, #tpu.memory_space<vmem>>, vector<128x128xf32>
    %dot_general3A = arith.constant dense<0.000000e+00> : vector<1000x128xf32>
    %dot_general3A_5 = tpu.matmul %get3A_1, %get3A_4, %dot_general3A {dimension_numbers = #tpu.dot_dimension_numbers<[1], [0], [0], [1], [0, 0, 1, 1], [], []>, transpose_lhs_hint = false} : vector<1000x128xf32>, vector<128x128xf32>, vector<1000x128xf32> -> vector<1000x128xf32>
    %get3A_6 = arith.constant 0 : index
    %get3A_7 = arith.constant 0 : index
    %get3A_8 = vector.load %arg3[%get3A_6, %get3A_7] : memref<1x128xf32, #tpu.memory_space<vmem>>, vector<1x128xf32>
    %add3A = vector.broadcast %get3A_8 : vector<1x128xf32> to vector<1000x128xf32>
    %add3A_9 = arith.addf %dot_general3A_5, %add3A : vector<1000x128xf32>
    %mul3A = arith.constant 2.500000e-01 : f32
    %mul3A_10 = vector.broadcast %mul3A : f32 to vector<1000x128xf32>
    %mul3A_11 = arith.mulf %add3A_9, %mul3A_10 : vector<1000x128xf32>
    %swap3A = arith.constant 0 : index
    %swap3A_12 = arith.constant 0 : index
    %swap3A_13 = vector.load %arg8[%swap3A, %swap3A_12] : memref<1000x128xf32, #tpu.memory_space<vmem>>, vector<1000x128xf32>
    tpu.vector_store %arg8[%swap3A, %swap3A_12], %mul3A_11 {strides = array<i32>} : memref<1000x128xf32, #tpu.memory_space<vmem>>, vector<1000x128xf32>,
    %get3A_14 = arith.constant 0 : index
    %get3A_15 = arith.constant 0 : index
    %get3A_16 = vector.load %arg4[%get3A_14, %get3A_15] : memref<128x128xf32, #tpu.memory_space<vmem>>, vector<128x128xf32>
    %dot_general3A_17 = arith.constant dense<0.000000e+00> : vector<1000x128xf32>
    %dot_general3A_18 = tpu.matmul %get3A_1, %get3A_16, %dot_general3A_17 {dimension_numbers = #tpu.dot_dimension_numbers<[1], [0], [0], [1], [0, 0, 1, 1], [], []>, transpose_lhs_hint = false} : vector<1000x128xf32>, vector<128x128xf32>, vector<1000x128xf32> -> vector<1000x128xf32>
    %get3A_19 = arith.constant 0 : index
    %get3A_20 = arith.constant 0 : index
    %get3A_21 = vector.load %arg5[%get3A_19, %get3A_20] : memref<1x128xf32, #tpu.memory_space<vmem>>, vector<1x128xf32>
    %add3A_22 = vector.broadcast %get3A_21 : vector<1x128xf32> to vector<1000x128xf32>
    %add3A_23 = arith.addf %dot_general3A_18, %add3A_22 : vector<1000x128xf32>
    %get3A_24 = arith.constant 0 : index
    %get3A_25 = arith.constant 0 : index
    %get3A_26 = vector.load %arg6[%get3A_24, %get3A_25] : memref<128x128xf32, #tpu.memory_space<vmem>>, vector<128x128xf32>
    %dot_general3A_27 = arith.constant dense<0.000000e+00> : vector<1000x128xf32>
    %dot_general3A_28 = tpu.matmul %get3A_1, %get3A_26, %dot_general3A_27 {dimension_numbers = #tpu.dot_dimension_numbers<[1], [0], [0], [1], [0, 0, 1, 1], [], []>, transpose_lhs_hint = false} : vector<1000x128xf32>, vector<128x128xf32>, vector<1000x128xf32> -> vector<1000x128xf32>
    %get3A_29 = arith.constant 0 : index
    %get3A_30 = arith.constant 0 : index
    %get3A_31 = vector.load %arg7[%get3A_29, %get3A_30] : memref<1x128xf32, #tpu.memory_space<vmem>>, vector<1x128xf32>
    %add3A_32 = vector.broadcast %get3A_31 : vector<1x128xf32> to vector<1000x128xf32>
    %add3A_33 = arith.addf %dot_general3A_28, %add3A_32 : vector<1000x128xf32>
    %concatenate3A = tpu.concatenate %add3A_23, %add3A_33 in 1 : vector<1000x128xf32>, vector<1000x128xf32> -> vector<1000x256xf32>
    %swap3A_34 = arith.constant 0 : index
    %swap3A_35 = arith.constant 0 : index
    %swap3A_36 = vector.load %arg9[%swap3A_34, %swap3A_35] : memref<1000x256xf32, #tpu.memory_space<vmem>>, vector<1000x256xf32>
    tpu.vector_store %arg9[%swap3A_34, %swap3A_35], %concatenate3A {strides = array<i32>} : memref<1000x256xf32, #tpu.memory_space<vmem>>, vector<1000x256xf32>,
    return
  }
  func.func @transform_0(%arg0: i32) -> (i32, i32) {
    %c0_i32 = arith.constant 0 : i32
    %c0_i32_0 = arith.constant 0 : i32
    return %arg0, %c0_i32 : i32, i32
  }
  func.func @transform_1(%arg0: i32) -> (i32, i32) {
    %c0_i32 = arith.constant 0 : i32
    %c0_i32_0 = arith.constant 0 : i32
    %c0_i32_1 = arith.constant 0 : i32
    return %c0_i32, %c0_i32_0 : i32, i32
  }
  func.func @transform_2(%arg0: i32) -> (i32, i32) {
    %c0_i32 = arith.constant 0 : i32
    %c0_i32_0 = arith.constant 0 : i32
    %c0_i32_1 = arith.constant 0 : i32
    return %c0_i32, %c0_i32_0 : i32, i32
  }
  func.func @transform_3(%arg0: i32) -> (i32, i32) {
    %c0_i32 = arith.constant 0 : i32
    %c0_i32_0 = arith.constant 0 : i32
    %c0_i32_1 = arith.constant 0 : i32
    return %c0_i32, %c0_i32_0 : i32, i32
  }
  func.func @transform_4(%arg0: i32) -> (i32, i32) {
    %c0_i32 = arith.constant 0 : i32
    %c0_i32_0 = arith.constant 0 : i32
    %c0_i32_1 = arith.constant 0 : i32
    return %c0_i32, %c0_i32_0 : i32, i32
  }
  func.func @transform_5(%arg0: i32) -> (i32, i32) {
    %c0_i32 = arith.constant 0 : i32
    %c0_i32_0 = arith.constant 0 : i32
    %c0_i32_1 = arith.constant 0 : i32
    return %c0_i32, %c0_i32_0 : i32, i32
  }
  func.func @transform_6(%arg0: i32) -> (i32, i32) {
    %c0_i32 = arith.constant 0 : i32
    %c0_i32_0 = arith.constant 0 : i32
    %c0_i32_1 = arith.constant 0 : i32
    return %c0_i32, %c0_i32_0 : i32, i32
  }
  func.func @transform_7(%arg0: i32) -> (i32, i32) {
    %c0_i32 = arith.constant 0 : i32
    %c0_i32_0 = arith.constant 0 : i32
    return %arg0, %c0_i32 : i32, i32
  }
  func.func @transform_8(%arg0: i32) -> (i32, i32) {
    %c0_i32 = arith.constant 0 : i32
    %c0_i32_0 = arith.constant 0 : i32
    return %arg0, %c0_i32 : i32, i32
  }
}

module attributes {stable_mosaic.version = 14 : i64} {
  func.func @_final_body(%arg0: i32, %arg1: memref<1000x128xf32, #tpu.memory_space<vmem>>, %arg2: memref<1000x128xf32, #tpu.memory_space<vmem>>, %arg3: memref<1000x8xf32, #tpu.memory_space<vmem>>, %arg4: memref<1000x8xf32, #tpu.memory_space<vmem>>, %arg5: memref<8x128xf32, #tpu.memory_space<vmem>>, %arg6: memref<128x128xf32, #tpu.memory_space<vmem>>, %arg7: memref<1x128xf32, #tpu.memory_space<vmem>>, %arg8: memref<1000x128xf32, #tpu.memory_space<vmem>>) attributes {dimension_semantics = [#tpu.dimension_semantics<arbitrary>], iteration_bounds = array<i64: 10>, scalar_prefetch = 0 : i64, scratch_operands = 0 : i64, tpu.core_type = #tpu.core_type<tc>, window_params = [{transform_indices = @transform_0, window_bounds = array<i64: 1000, 128>}, {transform_indices = @transform_1, window_bounds = array<i64: 1000, 128>}, {transform_indices = @transform_2, window_bounds = array<i64: 1000, 8>}, {transform_indices = @transform_3, window_bounds = array<i64: 1000, 8>}, {pipeline_mode = #tpu.pipeline_mode<synchronous>, transform_indices = @transform_4, window_bounds = array<i64: 8, 128>}, {pipeline_mode = #tpu.pipeline_mode<synchronous>, transform_indices = @transform_5, window_bounds = array<i64: 128, 128>}, {pipeline_mode = #tpu.pipeline_mode<synchronous>, transform_indices = @transform_6, window_bounds = array<i64: 1, 128>}, {transform_indices = @transform_7, window_bounds = array<i64: 1000, 128>}]} {
    %get3A = arith.constant 0 : index
    %get3A_0 = arith.constant 0 : index
    %get3A_1 = vector.load %arg1[%get3A, %get3A_0] : memref<1000x128xf32, #tpu.memory_space<vmem>>, vector<1000x128xf32>
    %get3A_2 = arith.constant 0 : index
    %get3A_3 = arith.constant 0 : index
    %get3A_4 = vector.load %arg2[%get3A_2, %get3A_3] : memref<1000x128xf32, #tpu.memory_space<vmem>>, vector<1000x128xf32>
    %add3A = arith.addf %get3A_1, %get3A_4 : vector<1000x128xf32>
    %get3A_5 = arith.constant 0 : index
    %get3A_6 = arith.constant 0 : index
    %get3A_7 = vector.load %arg3[%get3A_5, %get3A_6] : memref<1000x8xf32, #tpu.memory_space<vmem>>, vector<1000x8xf32>
    %get3A_8 = arith.constant 0 : index
    %get3A_9 = arith.constant 0 : index
    %get3A_10 = vector.load %arg4[%get3A_8, %get3A_9] : memref<1000x8xf32, #tpu.memory_space<vmem>>, vector<1000x8xf32>
    %add3A_11 = arith.addf %get3A_7, %get3A_10 : vector<1000x8xf32>
    %gt3A = arith.constant 0.000000e+00 : f32
    %gt3A_12 = vector.broadcast %gt3A : f32 to vector<1000x8xf32>
    %gt3A_13 = arith.cmpf ogt, %add3A_11, %gt3A_12 : vector<1000x8xf32>
    %gt3A_14 = arith.constant 0.000000e+00 : f32
    %gt3A_15 = vector.broadcast %gt3A_14 : f32 to vector<1000x8xf32>
    %gt3A_16 = arith.cmpf ogt, %add3A_11, %gt3A_15 : vector<1000x8xf32>
    %jit3A = arith.constant 1.000000e+00 : f32
    %broadcast_in_dim3A = vector.broadcast %jit3A : f32 to vector<1000x8xf32>
    %select_n3A = arith.select %gt3A_16, %add3A_11, %broadcast_in_dim3A : vector<1000x8xi1>, vector<1000x8xf32>
    %div3A = arith.constant 1.000000e+00 : f32
    %div3A_17 = vector.broadcast %div3A : f32 to vector<1000x8xf32>
    %div3A_18 = arith.divf %div3A_17, %select_n3A : vector<1000x8xf32>
    %jit3A_19 = arith.constant 0.000000e+00 : f32
    %broadcast_in_dim3A_20 = vector.broadcast %jit3A_19 : f32 to vector<1000x8xf32>
    %select_n3A_21 = arith.select %gt3A_13, %div3A_18, %broadcast_in_dim3A_20 : vector<1000x8xi1>, vector<1000x8xf32>
    %get3A_22 = arith.constant 0 : index
    %get3A_23 = arith.constant 0 : index
    %get3A_24 = vector.load %arg5[%get3A_22, %get3A_23] : memref<8x128xf32, #tpu.memory_space<vmem>>, vector<8x128xf32>
    %dot_general3A = arith.constant dense<0.000000e+00> : vector<1000x128xf32>
    %dot_general3A_25 = tpu.matmul %select_n3A_21, %get3A_24, %dot_general3A {dimension_numbers = #tpu.dot_dimension_numbers<[1], [0], [0], [1], [0, 0, 1, 1], [], []>, transpose_lhs_hint = false} : vector<1000x8xf32>, vector<8x128xf32>, vector<1000x128xf32> -> vector<1000x128xf32>
    %mul3A = arith.mulf %add3A, %dot_general3A_25 : vector<1000x128xf32>
    %get3A_26 = arith.constant 0 : index
    %get3A_27 = arith.constant 0 : index
    %get3A_28 = vector.load %arg6[%get3A_26, %get3A_27] : memref<128x128xf32, #tpu.memory_space<vmem>>, vector<128x128xf32>
    %dot_general3A_29 = arith.constant dense<0.000000e+00> : vector<1000x128xf32>
    %dot_general3A_30 = tpu.matmul %mul3A, %get3A_28, %dot_general3A_29 {dimension_numbers = #tpu.dot_dimension_numbers<[1], [0], [0], [1], [0, 0, 1, 1], [], []>, transpose_lhs_hint = false} : vector<1000x128xf32>, vector<128x128xf32>, vector<1000x128xf32> -> vector<1000x128xf32>
    %get3A_31 = arith.constant 0 : index
    %get3A_32 = arith.constant 0 : index
    %get3A_33 = vector.load %arg7[%get3A_31, %get3A_32] : memref<1x128xf32, #tpu.memory_space<vmem>>, vector<1x128xf32>
    %add3A_34 = vector.broadcast %get3A_33 : vector<1x128xf32> to vector<1000x128xf32>
    %add3A_35 = arith.addf %dot_general3A_30, %add3A_34 : vector<1000x128xf32>
    %swap3A = arith.constant 0 : index
    %swap3A_36 = arith.constant 0 : index
    %swap3A_37 = vector.load %arg8[%swap3A, %swap3A_36] : memref<1000x128xf32, #tpu.memory_space<vmem>>, vector<1000x128xf32>
    tpu.vector_store %arg8[%swap3A, %swap3A_36], %add3A_35 {strides = array<i32>} : memref<1000x128xf32, #tpu.memory_space<vmem>>, vector<1000x128xf32>,
    return
  }
  func.func @transform_0(%arg0: i32) -> (i32, i32) {
    %c0_i32 = arith.constant 0 : i32
    %c0_i32_0 = arith.constant 0 : i32
    return %arg0, %c0_i32 : i32, i32
  }
  func.func @transform_1(%arg0: i32) -> (i32, i32) {
    %c0_i32 = arith.constant 0 : i32
    %c0_i32_0 = arith.constant 0 : i32
    return %arg0, %c0_i32 : i32, i32
  }
  func.func @transform_2(%arg0: i32) -> (i32, i32) {
    %c0_i32 = arith.constant 0 : i32
    %c0_i32_0 = arith.constant 0 : i32
    return %arg0, %c0_i32 : i32, i32
  }
  func.func @transform_3(%arg0: i32) -> (i32, i32) {
    %c0_i32 = arith.constant 0 : i32
    %c0_i32_0 = arith.constant 0 : i32
    return %arg0, %c0_i32 : i32, i32
  }
  func.func @transform_4(%arg0: i32) -> (i32, i32) {
    %c0_i32 = arith.constant 0 : i32
    %c0_i32_0 = arith.constant 0 : i32
    %c0_i32_1 = arith.constant 0 : i32
    return %c0_i32, %c0_i32_0 : i32, i32
  }
  func.func @transform_5(%arg0: i32) -> (i32, i32) {
    %c0_i32 = arith.constant 0 : i32
    %c0_i32_0 = arith.constant 0 : i32
    %c0_i32_1 = arith.constant 0 : i32
    return %c0_i32, %c0_i32_0 : i32, i32
  }
  func.func @transform_6(%arg0: i32) -> (i32, i32) {
    %c0_i32 = arith.constant 0 : i32
    %c0_i32_0 = arith.constant 0 : i32
    %c0_i32_1 = arith.constant 0 : i32
    return %c0_i32, %c0_i32_0 : i32, i32
  }
  func.func @transform_7(%arg0: i32) -> (i32, i32) {
    %c0_i32 = arith.constant 0 : i32
    %c0_i32_0 = arith.constant 0 : i32
    return %arg0, %c0_i32 : i32, i32
  }
}

</mosaic_0001>

<sc_bundles>
// kernel: kernel.5.cloned.1.call-start
scs
__scs_entry_jumppad:
0x0: {  	(pc) =	sbr.rel $0x88, $3  }
0x1: {  	(tag) =	ssettag $0x0;
	lr =	simm.s32 $0x1  }
0x2: {  	[smem:$0x3F97] =	sst lr;
	_ =	strace $0xD0000000  }
0x3: {  	_ = 	snop  }
0x4: {  	_ = 	snop  }
0x5: {  	_ = 	snop  }
0x6: {  	_ = 	snop  }
0x7: {  	_ = 	snop  }
__scs_overlays_trampoline_lowered:
0x8: {  	[smem:$0x3FA6] =	sst s0  }
0x9: {  	[smem:$0x3FA7] =	sst s1  }
0xa: {  	[smem:$0x3FA8] =	sst s2  }
0xb: {  	[smem:$0x3FA9] =	sst s3  }
0xc: {  	[smem:$0x3FAA] =	sst s4  }
0xd: {  	[smem:$0x3FAB] =	sst s5  }
0xe: {  	[smem:$0x3FAC] =	sst s6  }
0xf: {  	[smem:$0x3FAD] =	sst s7  }
0x10: {  	[smem:$0x3FAE] =	sst s8  }
0x11: {  	[smem:$0x3FAF] =	sst s9;
	s0 =	simm.s32 @!p0 $0x0  }
0x12: {  	s1 =	sld [smem:$0x3F95];
	s0 =	simm.s32 @p0 $0x1  }
0x13: {  	[smem:$0x3FB0] =	sst s0;
	s0 =	simm.s32 @!p1 $0x0  }
0x14: {  	s2 =	sld [smem:$0x3F94];
	s0 =	simm.s32 @p1 $0x1  }
0x15: {  	[smem:$0x3FB1] =	sst s0;
	s0 =	simm.s32 @!p2 $0x0  }
0x16: {  	s3 =	sld [smem:$0x3FDB];
	s0 =	simm.s32 @p2 $0x1  }
0x17: {  	s4 =	simm.s32 $0x1BF5;
	[smem:$0x3FB3] =	sst s0  }
0x18: {  	s0 =	sld [smem:$0x3F96];
	_ =	swait.ge [sflag:s4], $0x0  }
0x19: {  	s7 =	sld [smem:$0x3F97]  }
0x1a: {  	s8 =	sadd.s32 $0xFFFFE003, lr  }
0x1b: {  	s9 =	sadd.s32 $0xFFFFFEF7, lr;
	s5 =	simm.s32 $0xFFFFFFFF;
	p2 =	slt.u32 s8, $0xFFFFF086  }
0x1c: {  	p1 =	slt.u32 s9, $0xF7A;
	s5 =	simm.s32 @!p2 $0x0  }
0x1d: {  	s5 =	simm.s32 @p1 $0x1;
	p0 =	seq.s32 s7, s2  }
0x1e: {  	s7 =	smul.u32 @!p0 $0xF7A, s2;
	p2 =	seq.s32 @!p0 s5, $0x0  }
0x1f: {  	s9 =	smul.u32 $0xF7A, s1;
	s8 =	simm.s32 @!p0 $0x1BF5;
	p2 =	por !p2, p0  }
0x20: {  	[sflag:s8] =	ssyncset.s32 @!p0 $0xFFFFF086;
	s6 =	sadd.s32 @!p0 s3, s7;
	s7 =	simm.s32 @!p0 $0x108  }
0x21: {  	s3 =	sadd.s32 s3, s9;
	s6 =	sadd.s32 @!p0 $0x88, s6;
	s7 =	simm.s32 @p2 $0x1082  }
0x22: {  	[simem:s7], [sflag:s8] =	dma.local @!p0 [hbm:s6], $0xF7A  }
0x23: {  	s9 =	sor.u32 $0xD0000000, s2;
	s6 =	simm.s32 $0x108;
	_ =	swait.ge @!p0 [sflag:s8], $0x0  }
0x24: {  	s3 =	sadd.s32 $0x88, s3;
	s6 =	simm.s32 @!p1 $0x1082;
	[sflag:s4] =	ssyncset.s32 $0xFFFFF086  }
0x25: {  	[simem:s6], [sflag:s4] =	dma.local [hbm:s3], $0xF7A  }
0x26: {  	[smem:$0x3F97] =	sst s1;
	(tag) =	ssettag s2;
	_ =	strace s9  }
0x27: {  	s1 =	sld [smem:$0x3FA7]  }
0x28: {  	s2 =	sld [smem:$0x3FA8]  }
0x29: {  	s4 =	sld [smem:$0x3FAA]  }
0x2a: {  	p0 =	seq.s32 s5, $0x0;
	s5 =	sld [smem:$0x3FAB]  }
0x2b: {  	s6 =	sld [smem:$0x3FAC]  }
0x2c: {  	s7 =	sld [smem:$0x3FAD]  }
0x2d: {  	s3 =	simm.s32 $0x108;
	s8 =	sld [smem:$0x3FAE]  }
0x2e: {  	s3 =	simm.s32 @!p0 $0x1082;
	s9 =	sld [smem:$0x3FAF]  }
0x2f: {  	lr =	sadd.s32 s0, s3;
	s0 =	sld [smem:$0x3FA6]  }
0x30: {  	s3 =	sld [smem:$0x3FA9]  }
0x31: {  	[smem:$0x3FB2] =	sst s10  }
0x32: {  	s10 =	sld [smem:$0x3FB0];
	_ =	sdelay $0x3  }
0x33: {  	p0 =	seq.s32 s10, $0x1;
	s10 =	sld [smem:$0x3FB2];
	_ =	sdelay $0x3  }
0x34: {  	[smem:$0x3FB2] =	sst s10  }
0x35: {  	s10 =	sld [smem:$0x3FB1];
	_ =	sdelay $0x3  }
0x36: {  	p1 =	seq.s32 s10, $0x1;
	s10 =	sld [smem:$0x3FB2];
	_ =	sdelay $0x3  }
0x37: {  	[smem:$0x3FB2] =	sst s10  }
0x38: {  	s10 =	sld [smem:$0x3FB3]  }
0x39: {  	_ = 	snop;
	(pc) =	sbr.ind lr, $3  }
0x3a: {  	_ = 	snop  }
0x3b: {  	_ = 	snop  }
0x3c: {  	p2 =	seq.s32 s10, $0x1;
	s10 =	sld [smem:$0x3FB2]  }
0x3d: {  	_ =	shalt  }
0x3e: {  	_ =	shalt  }
0x3f: {  	_ =	shalt  }
0x40: {  	_ =	shalt  }
0x41: {  	_ =	shalt  }
0x42: {  	_ =	shalt  }
0x43: {  	_ =	shalt  }
0x44: {  	_ =	shalt  }
0x45: {  	_ =	shalt  }
0x46: {  	_ =	shalt  }
0x47: {  	_ =	shalt  }
0x48: {  	_ =	shalt  }
0x49: {  	_ =	shalt  }
0x4a: {  	_ =	shalt  }
0x4b: {  	_ =	shalt  }
0x4c: {  	_ =	shalt  }
0x4d: {  	_ =	shalt  }
0x4e: {  	_ =	shalt  }
0x4f: {  	_ =	shalt  }
0x50: {  	_ =	shalt  }
0x51: {  	_ =	shalt  }
0x52: {  	_ =	shalt  }
0x53: {  	_ =	shalt  }
0x54: {  	_ =	shalt  }
0x55: {  	_ =	shalt  }
0x56: {  	_ =	shalt  }
0x57: {  	_ =	shalt  }
0x58: {  	_ =	shalt  }
0x59: {  	_ =	shalt  }
0x5a: {  	_ =	shalt  }
0x5b: {  	_ =	shalt  }
0x5c: {  	_ =	shalt  }
0x5d: {  	_ =	shalt  }
0x5e: {  	_ =	shalt  }
0x5f: {  	_ =	shalt  }
0x60: {  	_ =	shalt  }
0x61: {  	_ =	shalt  }
0x62: {  	_ =	shalt  }
0x63: {  	_ =	shalt  }
0x64: {  	_ =	shalt  }
0x65: {  	_ =	shalt  }
0x66: {  	_ =	shalt  }
0x67: {  	_ =	shalt  }
0x68: {  	_ =	shalt  }
0x69: {  	_ =	shalt  }
0x6a: {  	_ =	shalt  }
0x6b: {  	_ =	shalt  }
0x6c: {  	_ =	shalt  }
0x6d: {  	_ =	shalt  }
0x6e: {  	_ =	shalt  }
0x6f: {  	_ =	shalt  }
0x70: {  	_ =	shalt  }
0x71: {  	_ =	shalt  }
0x72: {  	_ =	shalt  }
0x73: {  	_ =	shalt  }
0x74: {  	_ =	shalt  }
0x75: {  	_ =	shalt  }
0x76: {  	_ =	shalt  }
0x77: {  	_ =	shalt  }
0x78: {  	_ =	shalt  }
0x79: {  	_ =	shalt  }
0x7a: {  	_ =	shalt  }
0x7b: {  	_ =	shalt  }
0x7c: {  	_ =	shalt  }
0x7d: {  	_ =	shalt  }
0x7e: {  	_ =	shalt  }
0x7f: {  	_ =	shalt  }
0x80: {  	_ =	shalt  }
0x81: {  	_ =	shalt  }
0x82: {  	_ =	shalt  }
0x83: {  	_ =	shalt  }
0x84: {  	_ =	shalt  }
0x85: {  	_ =	shalt  }
0x86: {  	_ =	shalt  }
0x87: {  	_ =	shalt  }
.Lfunc_end0:
.L_simem_size_0:
called_computation_lowered:
.L_overlay_start_0:
0x88: {  	s2 =	sld [smem:$0x3FD9]  }
0x89: {  	s3 =	sld [smem:$0x3FFE];
	_ =	sdelay $0x1  }
0x8a: {  	s1 =	srdreg.scid  }
0x8b: {  	s0 =	sand.u32 $0x1, s1  }
0x8c: {  	s17 =	sshll.u32 s0, $0xA;
	s2 =	sadd.s32 s3, s2  }
0x8d: {  	s2 =	sadd.s32 s2, s17  }
0x8e: {  	[smem:$0x3FBE] =	sst s2  }
0x8f: {  	_ = 	snop  }
0x90: {  	s2 =	sld [smem:$0x3FD0];
	(tm) =	ssettm $0x1  }
0x91: {  	s18 =	sld [smem:$0x3FFB];
	_ =	sdelay $0x3  }
0x92: {  	_ =	strace s18  }
0x93: {  	s3 =	sld [smem:$0x3FFC];
	_ =	sdelay $0x3  }
0x94: {  	_ =	strace s3  }
0x95: {  	s3 =	sld [smem:$0x3FFD];
	_ =	sdelay $0x3  }
0x96: {  	_ =	strace s3  }
0x97: {  	_ =	strace $0x8FFFFFFF  }
0x98: {  	s19 =	sld [smem:$0x3FDB];
	_ =	sdelay $0x1  }
0x99: {  	s4 =	simm.s32 $_scs_section_size  }
0x9a: {  	s5 =	simm.s32 $_size__tile_overlayer_lowered;
	s6 =	simm.s32 $_tile_overlayer_lowered  }
0x9b: {  	s22 =	simm.s32 $0x1BFF;
	s21 =	sshll.u32 s6, $0x1;
	s3 =	sadd.s32 s4, s19  }
0x9c: {  	s7 =	simm.s32 $0x0;
	s20 =	sshll.u32 s5, $0x1;
	s5 =	sadd.s32 s21, s3  }
0x9d: {  	[timem:s7], [sflag:s22] =	dma.local [hbm:s5], s20  }
0x9e: {  	_ =	swait.ge [sflag:s22], s20  }
0x9f: {  	s4 =	ssub.s32 $0x0, s20;
	[sflag:s22] =	ssyncset.done $0x0  }
0xa0: {  	[sflag:s22] =	ssyncadd.s32 s4;
	_ =	sdelay $0x1  }
0xa1: {  	s23 =	simm.s32 $0x1B8B  }
0xa2: {  	_ =	swait.ge [sflag:s23], $0x1  }
0xa3: {  	[sflag:s23] =	ssyncset.done $0x0  }
0xa4: {  	s25 =	simm.s32 $0x1B8E;
	s24 =	sld [smem:$0x3FFE];
	[sflag:s23] =	ssyncadd.s32 $0xFFFFFFFF  }
0xa5: {  	s26 =	simm.s32 $execute0_lowered;
	[smem:$0x3FD2] =	sst s25  }
0xa6: {  	s5 =	sshll.u32 s26, $0x1;
	_ =	strace $0x80000046;
	[dreg:$0x1] =	wrdreg $0xFFFFFFFF  }
0xa7: {  	s28 =	simm.s32 $_size_execute0_lowered;
	s3 =	sadd.s32 s3, s5;
	[dreg:$0x0] =	wrdreg $0x0  }
0xa8: {  	s5 =	sshll.u32 s28, $0x1;
	[dreg:$0x2] =	wrdreg s3  }
0xa9: {  	[dreg:$0x3] =	wrdreg s5  }
0xaa: {  	[dreg:$0x4] =	wrdreg $0xC0  }
0xab: {  	_ =	task [dreg:s7], $0x5FFFF  }
0xac: {  	[dreg:$0x1] =	wrdreg $0xFFFFFFFF  }
0xad: {  	[dreg:$0x0] =	wrdreg $0x60  }
0xae: {  	[dreg:$0x2] =	wrdreg s2  }
0xaf: {  	[dreg:$0x3] =	wrdreg s24  }
0xb0: {  	[dreg:$0x4] =	wrdreg $0x0  }
0xb1: {  	[dreg:$0x5] =	wrdreg $0x138800  }
0xb2: {  	[dreg:$0x6] =	wrdreg $0x9  }
0xb3: {  	_ =	task.clear_ibuf [dreg:s7], $0x7FFFF;
	_ =	strace $0x90000046  }
0xb4: {  	s29 =	simm.s32 $0x9;
	_ =	strace $0x80000048  }
0xb5: {  	_ =	swait.ge [sflag:s29], $0x1  }
0xb6: {  	[sflag:s29] =	ssyncadd.s32 $0xFFFFFFFF  }
0xb7: {  	_ =	strace $0x90000048  }
0xb8: {  	_ =	sfence  }
0xb9: {  	s30 =	sld [smem:$0x0];
	_ =	sdelay $0x2  }
0xba: {  	s31 =	sshll.u32 s1, $0xD;
	s1 =	sshrl.u32 s1, $0x2  }
0xbb: {  	s3 =	sand.u32 $0x4000, s31;
	s1 =	sadd.s32 s1, s30  }
0xbc: {  	s0 =	sor.u32 s3, s0;
	s1 =	sshll.u32 s1, $0x11  }
0xbd: {  	s0 =	sor.u32 s1, s0  }
0xbe: {  	s0 =	sadd.s32 $0x8F2B, s0  }
0xbf: {  	[sflag:s0] =	ssyncadd.remote.s32 $0x1  }
0xc0: {  	_ =	sfence.sel $0xFFFF  }
0xc1: {  	[dreg:$0x0] =	wrdreg $0xFFFFFFFF;
	(pc) =	sbr.abs _section_cstart, $3  }
0xc2: {  	[dreg:$0x1] =	wrdreg $0xFFFFFFFF  }
0xc3: {  	_ =	task.clear_ibuf [dreg:s7], $0x2FFFF;
	_ =	strace $0x9FFFFFFF  }
0xc4: {  	(tm) =	ssettm $0x7FFFFFFF  }
0xc5: {  	_ =	shalt  }
tec
execute0_lowered:
.L_overlay_start_1:
0x0: {  	(tag) =	ssettag $0x1  }
0x1: {  	s0 =	rddreg [dreg:$0x1]  }
0x2: {  	s2 =	rddreg [dreg:$0x2]  }
0x3: {  	s4 =	rddreg [dreg:$0x3]  }
0x4: {  	s22 =	simm.s32 $0x0;
	s1 =	stileid.u32;
	s9 =	srdreg.scid  }
0x5: {  	s18 =	simm.s32 $0x14C58;
	s19 =	simm.s32 $0x50;
	s20 =	simm.s32 $0x14CA8  }
0x6: {  	s21 =	simm.s32 $0x174A8;
	s28 =	simm.s32 $0x1C4A8;
	s30 =	simm.s32 $0x0  }
0x7: {  	[smem:$0x7FF] =	sst s22;
	s6 =	sadd.s32 $0x1800, s0;
	s3 =	smul.u32 $0x13880, s1  }
0x8: {  	s7 =	sadd.s32 $0x59800, s0;
	s5 =	smul.u32 $0x1388, s1;
	s9 =	sand.u32 $0x1, s9  }
0x9: {  	s8 =	sadd.s32 $0x4FA00, s0;
	s25 =	sshll.u32 s1, $0x6;
	s12 =	smul.u32 $0x27100, s9  }
0xa: {  	_ =	strace $0x80000047;
	s15 =	smul.u32 $0x2710, s9;
	s16 =	ssub.s32 $0x2, s9  }
0xb: {  	s9 =	sshll.u32 s9, $0x4;
	s10 =	sshrl.u32 s3, $0x3;
	s13 =	sshrl.u32 s5, $0x3  }
0xc: {  	s23 =	sshrl.u32 s16, $0x1;
	s9 =	sor.u32 s1, s9;
	s3 =	sadd.s32 s3, s2  }
0xd: {  	s1 =	sor.u32 $0x1C03, s25;
	s5 =	sadd.s32 s5, s4;
	s25 =	simm.s32 $0x2  }
0xe: {  	s11 =	sadd.s32 s10, s0;
	s14 =	sadd.s32 s13, s0;
	s17 =	sadd.s32 s12, s0  }
0xf: {  	s0 =	sadd.s32 s15, s0;
	s3 =	sshrl.u32 s3, $0x3;
	[dreg:$0x7] =	wrdreg s1  }
0x10: {  	s24 =	ssub.s32 s16, s23;
	s5 =	sshrl.u32 s5, $0x3;
	[dreg:$0xa] =	wrdreg s3  }
0x11: {  	s12 =	smul.u32 $0x2710, s9;
	s11 =	sadd.s32 $0x63600, s11;
	[dreg:$0xb] =	wrdreg s5  }
0x12: {  	s15 =	simm.s32 $0x3;
	s26 =	sadd.s32 $0x8A800, s14;
	[dreg:$0x6] =	wrdreg s11  }
0x13: {  	s29 =	sadd.s32 $0x92000, s17;
	s31 =	smax.u32 s24, $0x1;
	[dreg:$0x8] =	wrdreg s26  }
0x14: {  	s0 =	sadd.s32 $0x8D000, s0;
	[dreg:$0x9] =	wrdreg s31;
	s9 =	sadd.s32 s10, s29  }
0x15: {  	v1 =	vimm.s32 $0x0;
	vm0 =	vcmask $0x300;
	s23 =	simm.s32 $0x1;
	s0 =	sadd.s32 s13, s0;
	[dreg:$0xc] =	wrdreg s9  }
0x16: {  	v0 =	vlaneseq.u32;
	v1 =	vsel vm0, $0x3, v1;
	s17 =	simm.s32 $0x14C08;
	s26 =	simm.s32 $0x1ECA8;
	[dreg:$0xd] =	wrdreg s0  }
.LBB2_1:
0x17: {  	[dreg:$0x5] =	wrdreg s22  }
0x18: {  	s0 =	rddreg [dreg:$0x6]  }
0x19: {  	[spmem:s3], [sflag:s1] =	dma.local [hbm:s0], $0x2710  }
0x1a: {  	_ =	swait.ge [sflag:s15], $0x2710  }
0x1b: {  	[sflag:s15] =	ssyncset.done $0x0  }
0x1c: {  	s31 =	rddreg [dreg:$0x8];
	[sflag:s15] =	ssyncadd.s32 $0xFFFFD8F0  }
0x1d: {  	[spmem:s5], [sflag:s1] =	dma.local [hbm:s31], $0x271  }
0x1e: {  	_ =	swait.ge [sflag:s15], $0x271  }
0x1f: {  	[sflag:s15] =	ssyncset.done $0x0  }
0x20: {  	[sflag:s15] =	ssyncadd.s32 $0xFFFFFD8F  }
0x21: {  	s29 =	simm.s32 $0x0;
	[bflag:$0x0] =	sbarrier.arrive $0xFFFF  }
.LBB2_2:
0x22: {  	s0 =	smul.u32 $0x50, s29;
	_ =	sdelay $0x1  }
0x23: {  	s0 =	sadd.s32 s12, s0  }
0x24: {  	s0 =	sshrl.u32 s0, $0x3  }
0x25: {  	s3 =	sadd.s32 s7, s0  }
0x26: {  	[tilespmem:s17], [sflag:$0x3] =	stream.linear.gather [hbm4b:s3+s30], $0x50, $0x38;
	[tilespmem:$0x1EF28] =	vst v63  }
0x27: {  	_ =	swait.ge [sflag:s15], $0x50  }
0x28: {  	[sflag:s15] =	ssyncset.done $0x0  }
0x29: {  	s0 =	sadd.s32 s8, s0;
	[sflag:s15] =	ssyncadd.s32 $0xFFFFFFB0  }
0x2a: {  	[tilespmem:s18], [sflag:$0x3] =	stream.linear.gather [hbm4b:s0+s30], $0x50, $0x38;
	[tilespmem:$0x1EF28] =	vst v63  }
0x2b: {  	_ =	swait.ge [sflag:s15], $0x50  }
0x2c: {  	[sflag:s15] =	ssyncset.done $0x0  }
0x2d: {  	[sflag:s15] =	ssyncadd.s32 $0xFFFFFFB0  }
0x2e: {  	s31 =	rddreg [dreg:$0x0]  }
0x2f: {  	[tilespmem:s20], [sflag:$0x1] =	stream.indirect.gather [hbm4b:s31+s19], $0x80, s17, s19, $0xb8;
	[tilespmem:$0x1EF28] =	vst v63  }
0x30: {  	_ = 	snop  }
0x31: {  	[tilespmem:s21], [sflag:$0x2] =	stream.indirect.gather [hbm4b:s6+s19], $0x100, s18, s19, $0xb8;
	[tilespmem:$0x1EF28] =	vst v63  }
0x32: {  	_ =	swait.ge [sflag:s23], $0x2800  }
0x33: {  	[sflag:s23] =	ssyncset.done $0x0  }
0x34: {  	[sflag:s23] =	ssyncadd.s32 $0xFFFFD800  }
0x35: {  	_ =	swait.ge [sflag:s25], $0x5000  }
0x36: {  	s24 =	simm.s32 $0x1C8A8;
	[sflag:s25] =	ssyncset.done $0x0  }
0x37: {  	s14 =	simm.s32 $0x17D28;
	s3 =	simm.s32 $0x0;
	[sflag:s25] =	ssyncadd.s32 $0xFFFFB000  }
.LBB2_3:
0x38: {  	s5 =	simm.s32 $0x0  }
0x39: {  	v2 =	vmov s5  }
0x3a: {  	v2 =	vshrl.u32 v2, $0x3  }
0x3b: {  	s0 =	sshll.u32 s3, $0x4;
	v2 =	vshll.u32 v2, v1  }
0x3c: {  	s22 =	simm.s32 $0x8;
	v18 =	vor.u32 s0, v0;
	v19 =	vbroadcast v2, $0x0  }
0x3d: {  	s1 =	simm.s32 $0x9;
	v29 =	vmov s22;
	v15 =	vshll.u32 v18, $0x7  }
0x3e: {  	s9 =	simm.s32 $0xB;
	v33 =	vmov s1;
	v17 =	vshll.u32 v18, $0x8;
	v20 =	vor.u32 v15, v19  }
0x3f: {  	s13 =	simm.s32 $0xE;
	v38 =	vmov s9;
	v14 =	vor.u32 $0x1, v15;
	v21 =	vor.u32 v17, v19  }
0x40: {  	s16 =	simm.s32 $0xF;
	v55 =	vmov s13;
	v16 =	vor.u32 $0x1, v17;
	v22 =	vadd.s32 v14, v19  }
0x41: {  	v59 =	vmov s16;
	v13 =	vor.u32 $0x2, v17;
	v23 =	vadd.s32 v16, v19  }
0x42: {  	v29 =	vshrl.u32 v29, $0x3;
	v12 =	vor.u32 $0x2, v15;
	v26 =	vadd.s32 v13, v19  }
0x43: {  	s5 =	simm.s32 $0xA;
	v33 =	vshrl.u32 v33, $0x3;
	v11 =	vor.u32 $0x3, v17;
	v24 =	vadd.s32 v12, v19;
	v20 =	vld.idx.msk [tilespmem:v20+s20+$0x0], $0xffff  }
0x44: {  	v36 =	vmov s5;
	v8 =	vor.u32 $0x3, v15;
	v27 =	vadd.s32 v11, v19;
	v21 =	vld.idx.msk [tilespmem:v21+s21+$0x0], $0xffff  }
0x45: {  	v38 =	vshrl.u32 v38, $0x3;
	v10 =	vor.u32 $0x4, v17;
	v25 =	vadd.s32 v8, v19;
	v22 =	vld.idx.msk [tilespmem:v22+s20+$0x0], $0xffff  }
0x46: {  	v7 =	vor.u32 $0x4, v15;
	v5 =	vor.u32 $0x5, v15;
	v30 =	vadd.s32 v10, v19;
	v23 =	vld.idx.msk [tilespmem:v23+s21+$0x0], $0xffff  }
0x47: {  	v3 =	vor.u32 $0x6, v15;
	v9 =	vor.u32 $0x5, v17;
	v28 =	vadd.s32 v7, v19;
	v26 =	vld.idx.msk [tilespmem:v26+s21+$0x0], $0xffff  }
0x48: {  	v6 =	vor.u32 $0x6, v17;
	v2 =	vor.u32 $0x7, v15;
	v31 =	vadd.s32 v9, v19;
	v24 =	vld.idx.msk [tilespmem:v24+s20+$0x0], $0xffff  }
0x49: {  	v4 =	vor.u32 $0x7, v17;
	v29 =	vshll.u32 v29, v1;
	v34 =	vadd.s32 v2, v19;
	v27 =	vld.idx.msk [tilespmem:v27+s21+$0x0], $0xffff  }
0x4a: {  	v33 =	vshll.u32 v33, v1;
	v36 =	vshrl.u32 v36, $0x3;
	v39 =	vadd.s32 v5, v19;
	v25 =	vld.idx.msk [tilespmem:v25+s20+$0x0], $0xffff  }
0x4b: {  	v51 =	vshll.u32 v38, v1;
	v29 =	vbroadcast v29, $0x0;
	v30 =	vld.idx.msk [tilespmem:v30+s21+$0x0], $0xffff;
	v20 =	vmul.f32 v21, v20  }
0x4c: {  	v32 =	vadd.s32 v3, v19;
	v35 =	vadd.s32 v4, v19;
	v19 =	vadd.s32 v6, v19;
	v28 =	vld.idx.msk [tilespmem:v28+s20+$0x0], $0xffff  }
0x4d: {  	v50 =	vshll.u32 v36, v1;
	v31 =	vld.idx.msk [tilespmem:v31+s21+$0x0], $0xffff;
	v22 =	vmul.f32 v23, v22;
	v20 =	vadd.f32 $0.0e+00, v20  }
0x4e: {  	v52 =	vbroadcast v51, $0x0;
	v37 =	vadd.s32 v17, v29;
	v56 =	vld.idx.msk [tilespmem:v34+s20+$0x0], $0xffff;
	v34 =	vshrl.u32 v59, $0x3  }
0x4f: {  	s10 =	simm.s32 $0xC;
	v54 =	vld.idx.msk [tilespmem:v39+s20+$0x0], $0xffff;
	v21 =	vbroadcast v33, $0x0;
	v24 =	vmul.f32 v26, v24;
	v20 =	vadd.f32 v22, v20  }
0x50: {  	v23 =	vadd.s32 v15, v29;
	v29 =	vbroadcast v50, $0x0;
	v26 =	vmov s10  }
0x51: {  	v19 =	vld.idx.msk [tilespmem:v19+s21+$0x0], $0xffff;
	v25 =	vmul.f32 v27, v25;
	v53 =	vadd.s32 v14, v21;
	v20 =	vadd.f32 v24, v20  }
0x52: {  	s11 =	simm.s32 $0xD;
	v21 =	vadd.s32 v16, v21;
	v22 =	vadd.s32 v12, v29;
	v24 =	vadd.s32 v13, v29;
	v29 =	vld.idx.msk [tilespmem:v32+s20+$0x0], $0xffff  }
0x53: {  	v27 =	vmov s11;
	v28 =	vmul.f32 v30, v28;
	v20 =	vadd.f32 v25, v20  }
0x54: {  	v35 =	vld.idx.msk [tilespmem:v35+s21+$0x0], $0xffff;
	v31 =	vmul.f32 v31, v54;
	v33 =	vadd.s32 v8, v52;
	v26 =	vshrl.u32 v26, $0x3  }
0x55: {  	v57 =	vld.idx.msk [tilespmem:v37+s21+$0x0], $0xffff;
	v26 =	vshll.u32 v26, v1;
	v25 =	vshrl.u32 v27, $0x3;
	v20 =	vadd.f32 v28, v20  }
0x56: {  	v26 =	vbroadcast v26, $0x0;
	v23 =	vld.idx.msk [tilespmem:v23+s20+$0x0], $0xffff;
	v27 =	vshrl.u32 v55, $0x3;
	v25 =	vshll.u32 v25, v1  }
0x57: {  	v21 =	vld.idx.msk [tilespmem:v21+s21+$0x0], $0xffff;
	v28 =	vadd.s32 v11, v52;
	v19 =	vmul.f32 v19, v29;
	v20 =	vadd.f32 v31, v20  }
0x58: {  	v58 =	vld.idx.msk [tilespmem:v53+s20+$0x0], $0xffff;
	v25 =	vbroadcast v25, $0x0;
	v29 =	vadd.s32 v7, v26;
	v26 =	vadd.s32 v10, v26  }
0x59: {  	v30 =	vmul.f32 v35, v56;
	v27 =	vshll.u32 v27, v1;
	v22 =	vld.idx.msk [tilespmem:v22+s20+$0x0], $0xffff;
	v19 =	vadd.f32 v19, v20  }
0x5a: {  	v27 =	vbroadcast v27, $0x0;
	v24 =	vld.idx.msk [tilespmem:v24+s21+$0x0], $0xffff;
	v20 =	vadd.s32 v5, v25;
	v25 =	vadd.s32 v9, v25  }
0x5b: {  	v34 =	vshll.u32 v34, v1;
	v60 =	vld.idx.msk [tilespmem:v33+s20+$0x0], $0xffff;
	v23 =	vmul.f32 v57, v23;
	v19 =	vadd.f32 v30, v19  }
0x5c: {  	v62 =	vbroadcast v34, $0x0;
	v61 =	vadd.s32 v6, v27;
	v28 =	vld.idx.msk [tilespmem:v28+s21+$0x0], $0xffff  }
0x5d: {  	v27 =	vadd.s32 v3, v27;
	v21 =	vmul.f32 v21, v58;
	v26 =	vld.idx.msk [tilespmem:v26+s21+$0x0], $0xffff;
	v19 =	vadd.f32 v23, v19  }
0x5e: {  	v23 =	vld.idx.msk [tilespmem:v29+s20+$0x0], $0xffff;
	v29 =	vadd.s32 v4, v62  }
0x5f: {  	v63 =	vadd.s32 v2, v62;
	v22 =	vmul.f32 v24, v22;
	v25 =	vld.idx.msk [tilespmem:v25+s21+$0x0], $0xffff;
	v19 =	vadd.f32 v21, v19  }
0x60: {  	v20 =	vld.idx.msk [tilespmem:v20+s20+$0x0], $0xffff  }
0x61: {  	v21 =	vld.idx.msk [tilespmem:v61+s21+$0x0], $0xffff;
	v24 =	vmul.f32 v28, v60;
	v19 =	vadd.f32 v22, v19  }
0x62: {  	v22 =	vld.idx.msk [tilespmem:v27+s20+$0x0], $0xffff  }
0x63: {  	v27 =	vld.idx.msk [tilespmem:v29+s21+$0x0], $0xffff;
	v23 =	vmul.f32 v26, v23;
	v19 =	vadd.f32 v24, v19  }
0x64: {  	v24 =	vld.idx.msk [tilespmem:v63+s20+$0x0], $0xffff  }
0x65: {  	v20 =	vmul.f32 v25, v20;
	v19 =	vadd.f32 v23, v19;
	_ =	sdelay $0x1  }
0x66: {  	v21 =	vmul.f32 v21, v22;
	v19 =	vadd.f32 v20, v19;
	_ =	sdelay $0x1  }
0x67: {  	v20 =	vmul.f32 v27, v24;
	v19 =	vadd.f32 v21, v19;
	_ =	sdelay $0x1  }
0x68: {  	v19 =	vadd.f32 v20, v19;
	_ =	sdelay $0x1  }
0x69: {  	v19 =	vmul.f32 $1.442695020e+00, v19;
	_ =	sdelay $0x1  }
0x6a: {  	(erf) = vpow2.f32 v19  }
0x6b: {  	v19 =	vmov s30  }
0x6c: {  	v19 =	vand.u32 $0x7, v19  }
0x6d: {  	v19 =	vbroadcast v19, $0x0  }
0x6e: {  	v18 =	vshll.u32 v18, $0x3  }
0x6f: {  	v20 =	vor.u32 v18, v19;
	_ =	sdelay $0x3  }
0x70: {  	v19 =	vpop (erf)  }
0x71: {  	[tilespmem:v20+s26+$0x0] =	vst.idx.msk $0xffff, v19  }
0x72: {  	v20 =	vld [tilespmem:s14+$0xFFFFF800];
	_ =	sdelay $0x2  }
0x73: {  	v21 =	vbroadcast v19, $0x0;
	_ =	sdelay $0x1  }
0x74: {  	v20 =	vmul.f32 v21, v20;
	_ =	sdelay $0x1  }
0x75: {  	[tilespmem:s24+$0xFFFFFC00] =	vst v20  }
0x76: {  	v20 =	vld [tilespmem:s14+$0xFFFFF900];
	_ =	sdelay $0x2  }
0x77: {  	v21 =	vbroadcast v19, $0x1;
	_ =	sdelay $0x1  }
0x78: {  	v20 =	vmul.f32 v21, v20;
	_ =	sdelay $0x1  }
0x79: {  	[tilespmem:s24+$0xFFFFFC80] =	vst v20  }
0x7a: {  	v20 =	vld [tilespmem:s14+$0xFFFFFA00];
	_ =	sdelay $0x2  }
0x7b: {  	v21 =	vbroadcast v19, $0x2;
	_ =	sdelay $0x1  }
0x7c: {  	v20 =	vmul.f32 v20, v21;
	_ =	sdelay $0x1  }
0x7d: {  	[tilespmem:s24+$0xFFFFFD00] =	vst v20  }
0x7e: {  	v20 =	vld [tilespmem:s14+$0xFFFFFB00];
	_ =	sdelay $0x2  }
0x7f: {  	v21 =	vbroadcast v19, $0x3;
	_ =	sdelay $0x1  }
0x80: {  	v20 =	vmul.f32 v20, v21;
	_ =	sdelay $0x1  }
0x81: {  	[tilespmem:s24+$0xFFFFFD80] =	vst v20  }
0x82: {  	v20 =	vld [tilespmem:s14+$0xFFFFFC00];
	_ =	sdelay $0x2  }
0x83: {  	v21 =	vbroadcast v19, $0x4;
	_ =	sdelay $0x1  }
0x84: {  	v20 =	vmul.f32 v20, v21;
	_ =	sdelay $0x1  }
0x85: {  	[tilespmem:s24+$0xFFFFFE00] =	vst v20  }
0x86: {  	v20 =	vld [tilespmem:s14+$0xFFFFFD00];
	_ =	sdelay $0x2  }
0x87: {  	v21 =	vbroadcast v19, $0x5;
	_ =	sdelay $0x1  }
0x88: {  	v20 =	vmul.f32 v20, v21;
	_ =	sdelay $0x1  }
0x89: {  	[tilespmem:s24+$0xFFFFFE80] =	vst v20  }
0x8a: {  	v20 =	vld [tilespmem:s14+$0xFFFFFE00];
	_ =	sdelay $0x2  }
0x8b: {  	v21 =	vbroadcast v19, $0x6;
	_ =	sdelay $0x1  }
0x8c: {  	v20 =	vmul.f32 v20, v21;
	_ =	sdelay $0x1  }
0x8d: {  	[tilespmem:s24+$0xFFFFFF00] =	vst v20  }
0x8e: {  	v20 =	vld [tilespmem:s14+$0xFFFFFF00];
	_ =	sdelay $0x1  }
0x8f: {  	s22 =	simm.s32 $0x10  }
0x90: {  	v22 =	vbroadcast v19, $0x7;
	v21 =	vmov s22  }
0x91: {  	v21 =	vshrl.u32 v21, $0x3  }
0x92: {  	v21 =	vshll.u32 v21, v1;
	v20 =	vmul.f32 v20, v22  }
0x93: {  	v24 =	vbroadcast v21, $0x0  }
0x94: {  	s31 =	smov.u32 s24;
	[tilespmem:s24+$0xFFFFFF80] =	vst v20  }
0x95: {  	s16 =	simm.s32 $0x2F;
	s9 =	sadd.s32 $0x10, s14;
	s13 =	simm.s32 $0x0;
	v27 =	vbroadcast v19, $0x8;
	v23 =	vor.u32 v15, v24;
	v25 =	vld [tilespmem:s14+$0x0]  }
0x96: {  	s0 =	smov.u32 s14;
	s11 =	smov.u32 s24;
	s22 =	simm.s32 $0x1F;
	v21 =	vadd.s32 v16, v24;
	v22 =	vor.u32 v17, v24;
	v20 =	vadd.s32 v12, v24  }
.LBB2_4:
0x97: {  	s13 =	sadd.s32 $0x1, s13  }
0x98: {  	v28 =	vadd.s32 v8, v24;
	v31 =	vadd.s32 v11, v24;
	s31 =	sadd.s32 $0x10, s31;
	s10 =	smov.u32 s16;
	s5 =	sadd.s32 $0x10, s16  }
0x99: {  	p0 =	sne.s32 s16, $0x7F;
	v29 =	vadd.s32 v7, v24;
	v32 =	vadd.s32 v10, v24  }
0x9a: {  	v30 =	vadd.s32 v9, v24;
	v26 =	vadd.s32 v3, v24;
	v33 =	vmul.f32 v25, v27  }
0x9b: {  	v25 =	vadd.s32 v2, v24;
	v27 =	vadd.s32 v4, v24  }
0x9c: {  	[tilespmem:s11+$0x0] =	vst v33  }
0x9d: {  	v33 =	vld [tilespmem:s0+$0x100];
	_ =	sdelay $0x1  }
0x9e: {  	v34 =	vbroadcast v19, $0x9  }
0x9f: {  	s16 =	sadd.s32 $0xFFFFFFF9, s22  }
0xa0: {  	v35 =	vmov s16  }
0xa1: {  	s16 =	sadd.s32 $0xFFFFFFFA, s22;
	v35 =	vshrl.u32 v35, $0x3;
	v33 =	vmul.f32 v33, v34  }
0xa2: {  	v34 =	vshll.u32 v35, v1;
	v35 =	vmov s16  }
0xa3: {  	s1 =	sadd.s32 $0xFFFFFFFC, s22;
	s16 =	sadd.s32 $0xFFFFFFFB, s22;
	v34 =	vbroadcast v34, $0x0;
	v35 =	vshrl.u32 v35, $0x3;
	[tilespmem:s11+$0x80] =	vst v33  }
0xa4: {  	v37 =	vmov s16;
	v36 =	vshll.u32 v35, v1;
	v38 =	vld [tilespmem:s0+$0x200]  }
0xa5: {  	v40 =	vbroadcast v19, $0xA;
	v39 =	vmov s1;
	v33 =	vadd.s32 v17, v34  }
0xa6: {  	v35 =	vadd.s32 v15, v34;
	v34 =	vshrl.u32 v37, $0x3;
	v37 =	vshrl.u32 v39, $0x3  }
0xa7: {  	v39 =	vbroadcast v36, $0x0;
	v34 =	vshll.u32 v34, v1;
	v36 =	vshll.u32 v37, v1  }
0xa8: {  	v41 =	vbroadcast v34, $0x0;
	v37 =	vbroadcast v36, $0x0  }
0xa9: {  	v36 =	vadd.s32 v14, v39;
	v39 =	vadd.s32 v16, v39;
	v40 =	vmul.f32 v38, v40  }
0xaa: {  	v34 =	vadd.s32 v12, v41;
	v38 =	vadd.s32 v13, v41  }
0xab: {  	[tilespmem:s11+$0x100] =	vst v40  }
0xac: {  	v40 =	vld [tilespmem:s0+$0x300];
	_ =	sdelay $0x1  }
0xad: {  	v41 =	vbroadcast v19, $0xB;
	_ =	sdelay $0x2  }
0xae: {  	v40 =	vmul.f32 v40, v41  }
0xaf: {  	v41 =	vadd.s32 v14, v24  }
0xb0: {  	[tilespmem:s11+$0x180] =	vst v40  }
0xb1: {  	v40 =	vld [tilespmem:s0+$0x400];
	_ =	sdelay $0x1  }
0xb2: {  	v42 =	vadd.s32 v13, v24;
	v43 =	vbroadcast v19, $0xC;
	_ =	sdelay $0x2  }
0xb3: {  	v40 =	vmul.f32 v40, v43;
	_ =	sdelay $0x1  }
0xb4: {  	[tilespmem:s11+$0x200] =	vst v40  }
0xb5: {  	v40 =	vld [tilespmem:s0+$0x500]  }
0xb6: {  	v43 =	vadd.s32 v5, v24  }
0xb7: {  	v44 =	vbroadcast v19, $0xD;
	v24 =	vadd.s32 v6, v24;
	_ =	sdelay $0x2  }
0xb8: {  	v40 =	vmul.f32 v40, v44;
	_ =	sdelay $0x1  }
0xb9: {  	[tilespmem:s11+$0x280] =	vst v40  }
0xba: {  	s1 =	sadd.s32 $0xFFFFFFFD, s22;
	v40 =	vld [tilespmem:s0+$0x600]  }
0xbb: {  	v44 =	vmov s1  }
0xbc: {  	v45 =	vbroadcast v19, $0xE;
	s16 =	sadd.s32 $0xFFFFFFFF, s22;
	s1 =	sadd.s32 $0xFFFFFFFE, s22;
	v44 =	vshrl.u32 v44, $0x3  }
0xbd: {  	v46 =	vmov s1;
	v44 =	vshll.u32 v44, v1  }
0xbe: {  	v47 =	vmov s16  }
0xbf: {  	v47 =	vshrl.u32 v47, $0x3;
	v46 =	vshrl.u32 v46, $0x3;
	v40 =	vmul.f32 v40, v45  }
0xc0: {  	v44 =	vbroadcast v44, $0x0;
	v45 =	vshll.u32 v46, v1;
	v46 =	vshll.u32 v47, v1  }
0xc1: {  	v45 =	vbroadcast v45, $0x0;
	v46 =	vbroadcast v46, $0x0;
	[tilespmem:s11+$0x300] =	vst v40  }
0xc2: {  	v40 =	vadd.s32 v7, v44;
	v44 =	vadd.s32 v10, v44;
	v47 =	vld [tilespmem:s0+$0x700];
	s0 =	smov.u32 s9  }
0xc3: {  	v48 =	vadd.s32 v5, v45;
	v45 =	vadd.s32 v9, v45  }
0xc4: {  	v19 =	vbroadcast v19, $0xF;
	_ =	sdelay $0x2  }
0xc5: {  	v19 =	vmul.f32 v47, v19;
	_ =	sdelay $0x1  }
0xc6: {  	[tilespmem:s11+$0x380] =	vst v19;
	s11 =	smov.u32 s31  }
0xc7: {  	v19 =	vld.idx.msk [tilespmem:v41+s20+$0x0], $0xffff  }
0xc8: {  	v23 =	vld.idx.msk [tilespmem:v23+s20+$0x0], $0xffff  }
0xc9: {  	v22 =	vld.idx.msk [tilespmem:v22+s21+$0x0], $0xffff  }
0xca: {  	v21 =	vld.idx.msk [tilespmem:v21+s21+$0x0], $0xffff  }
0xcb: {  	v41 =	vld.idx.msk [tilespmem:v42+s21+$0x0], $0xffff  }
0xcc: {  	v20 =	vld.idx.msk [tilespmem:v20+s20+$0x0], $0xffff  }
0xcd: {  	v31 =	vld.idx.msk [tilespmem:v31+s21+$0x0], $0xffff  }
0xce: {  	v28 =	vld.idx.msk [tilespmem:v28+s20+$0x0], $0xffff  }
0xcf: {  	v22 =	vmul.f32 v22, v23;
	v23 =	vld.idx.msk [tilespmem:v32+s21+$0x0], $0xffff  }
0xd0: {  	v19 =	vmul.f32 v21, v19;
	v21 =	vld.idx.msk [tilespmem:v29+s20+$0x0], $0xffff  }
0xd1: {  	v22 =	vadd.f32 $0.0e+00, v22;
	v29 =	vld.idx.msk [tilespmem:v30+s21+$0x0], $0xffff  }
0xd2: {  	v20 =	vmul.f32 v41, v20;
	v30 =	vld.idx.msk [tilespmem:v43+s20+$0x0], $0xffff  }
0xd3: {  	v19 =	vadd.f32 v19, v22;
	v22 =	vld.idx.msk [tilespmem:v24+s21+$0x0], $0xffff  }
0xd4: {  	v24 =	vmul.f32 v31, v28;
	v26 =	vld.idx.msk [tilespmem:v26+s20+$0x0], $0xffff  }
0xd5: {  	v19 =	vadd.f32 v20, v19;
	v20 =	vld.idx.msk [tilespmem:v27+s21+$0x0], $0xffff  }
0xd6: {  	v21 =	vmul.f32 v23, v21;
	v23 =	vld.idx.msk [tilespmem:v25+s20+$0x0], $0xffff  }
0xd7: {  	v19 =	vadd.f32 v24, v19;
	v24 =	vld.idx.msk [tilespmem:v33+s21+$0x0], $0xffff  }
0xd8: {  	v28 =	vadd.s32 v11, v37;
	v25 =	vmul.f32 v29, v30;
	v27 =	vld.idx.msk [tilespmem:v35+s20+$0x0], $0xffff  }
0xd9: {  	v29 =	vadd.s32 v8, v37;
	v19 =	vadd.f32 v21, v19;
	v21 =	vld.idx.msk [tilespmem:v39+s21+$0x0], $0xffff  }
0xda: {  	v22 =	vmul.f32 v22, v26;
	v26 =	vld.idx.msk [tilespmem:v36+s20+$0x0], $0xffff  }
0xdb: {  	v30 =	vmov s22;
	s22 =	smov.u32 s10;
	v19 =	vadd.f32 v25, v19;
	v25 =	vld.idx.msk [tilespmem:v38+s21+$0x0], $0xffff  }
0xdc: {  	v30 =	vshrl.u32 v30, $0x3;
	v20 =	vmul.f32 v20, v23;
	v23 =	vld.idx.msk [tilespmem:v34+s20+$0x0], $0xffff  }
0xdd: {  	v19 =	vadd.f32 v22, v19;
	v22 =	vld.idx.msk [tilespmem:v28+s21+$0x0], $0xffff;
	v28 =	vshll.u32 v30, v1  }
0xde: {  	v24 =	vmul.f32 v24, v27;
	v27 =	vld.idx.msk [tilespmem:v29+s20+$0x0], $0xffff;
	v29 =	vadd.s32 v6, v46;
	v28 =	vbroadcast v28, $0x0  }
0xdf: {  	v30 =	vadd.s32 v3, v46;
	v19 =	vadd.f32 v20, v19;
	v20 =	vld.idx.msk [tilespmem:v44+s21+$0x0], $0xffff  }
0xe0: {  	v21 =	vmul.f32 v21, v26;
	v26 =	vld.idx.msk [tilespmem:v40+s20+$0x0], $0xffff;
	v31 =	vadd.s32 v4, v28  }
0xe1: {  	v19 =	vadd.f32 v24, v19;
	v28 =	vadd.s32 v2, v28;
	v24 =	vld.idx.msk [tilespmem:v45+s21+$0x0], $0xffff  }
0xe2: {  	v23 =	vmul.f32 v25, v23;
	v25 =	vld.idx.msk [tilespmem:v48+s20+$0x0], $0xffff  }
0xe3: {  	v19 =	vadd.f32 v21, v19;
	v21 =	vld.idx.msk [tilespmem:v29+s21+$0x0], $0xffff  }
0xe4: {  	v22 =	vmul.f32 v22, v27;
	v27 =	vld.idx.msk [tilespmem:v30+s20+$0x0], $0xffff  }
0xe5: {  	v19 =	vadd.f32 v23, v19;
	v23 =	vld.idx.msk [tilespmem:v31+s21+$0x0], $0xffff  }
0xe6: {  	v20 =	vmul.f32 v20, v26;
	v26 =	vld.idx.msk [tilespmem:v28+s20+$0x0], $0xffff  }
0xe7: {  	v19 =	vadd.f32 v22, v19  }
0xe8: {  	v22 =	vmul.f32 v24, v25  }
0xe9: {  	v19 =	vadd.f32 v20, v19  }
0xea: {  	v20 =	vmul.f32 v21, v27  }
0xeb: {  	v19 =	vadd.f32 v22, v19  }
0xec: {  	v21 =	vmul.f32 v23, v26  }
0xed: {  	v19 =	vadd.f32 v20, v19;
	_ =	sdelay $0x1  }
0xee: {  	v19 =	vadd.f32 v21, v19;
	_ =	sdelay $0x1  }
0xef: {  	v19 =	vmul.f32 $1.442695020e+00, v19;
	_ =	sdelay $0x1  }
0xf0: {  	v20 =	vmov s13;
	(erf) = vpow2.f32 v19  }
0xf1: {  	v19 =	vand.u32 $0x7, v20  }
0xf2: {  	v19 =	vbroadcast v19, $0x0;
	_ =	sdelay $0x1  }
0xf3: {  	v20 =	vor.u32 v18, v19;
	_ =	sdelay $0x4  }
0xf4: {  	v19 =	vpop (erf)  }
0xf5: {  	[tilespmem:v20+s26+$0x0] =	vst.idx.msk $0xffff, v19  }
0xf6: {  	v20 =	vld [tilespmem:s9+$0xFFFFF800];
	_ =	sdelay $0x1  }
0xf7: {  	v21 =	vbroadcast v19, $0x0;
	_ =	sdelay $0x2  }
0xf8: {  	v20 =	vmul.f32 v21, v20;
	_ =	sdelay $0x1  }
0xf9: {  	[tilespmem:s31+$0xFFFFFC00] =	vst v20  }
0xfa: {  	v20 =	vld [tilespmem:s9+$0xFFFFF900];
	_ =	sdelay $0x1  }
0xfb: {  	v21 =	vbroadcast v19, $0x1;
	_ =	sdelay $0x2  }
0xfc: {  	v20 =	vmul.f32 v21, v20;
	_ =	sdelay $0x1  }
0xfd: {  	[tilespmem:s31+$0xFFFFFC80] =	vst v20  }
0xfe: {  	v20 =	vld [tilespmem:s9+$0xFFFFFA00];
	_ =	sdelay $0x1  }
0xff: {  	v21 =	vbroadcast v19, $0x2;
	_ =	sdelay $0x2  }
0x100: {  	v20 =	vmul.f32 v20, v21;
	_ =	sdelay $0x1  }
0x101: {  	[tilespmem:s31+$0xFFFFFD00] =	vst v20  }
0x102: {  	v20 =	vld [tilespmem:s9+$0xFFFFFB00];
	_ =	sdelay $0x1  }
0x103: {  	v21 =	vbroadcast v19, $0x3;
	_ =	sdelay $0x2  }
0x104: {  	v20 =	vmul.f32 v20, v21;
	_ =	sdelay $0x1  }
0x105: {  	[tilespmem:s31+$0xFFFFFD80] =	vst v20  }
0x106: {  	v20 =	vld [tilespmem:s9+$0xFFFFFC00];
	_ =	sdelay $0x1  }
0x107: {  	v21 =	vbroadcast v19, $0x4;
	_ =	sdelay $0x2  }
0x108: {  	v20 =	vmul.f32 v20, v21;
	_ =	sdelay $0x1  }
0x109: {  	[tilespmem:s31+$0xFFFFFE00] =	vst v20  }
0x10a: {  	v20 =	vld [tilespmem:s9+$0xFFFFFD00];
	_ =	sdelay $0x1  }
0x10b: {  	v21 =	vbroadcast v19, $0x5;
	_ =	sdelay $0x2  }
0x10c: {  	v20 =	vmul.f32 v20, v21;
	_ =	sdelay $0x1  }
0x10d: {  	[tilespmem:s31+$0xFFFFFE80] =	vst v20  }
0x10e: {  	v20 =	vld [tilespmem:s9+$0xFFFFFE00];
	_ =	sdelay $0x1  }
0x10f: {  	v21 =	vbroadcast v19, $0x6;
	_ =	sdelay $0x2  }
0x110: {  	v20 =	vmul.f32 v20, v21;
	_ =	sdelay $0x1  }
0x111: {  	[tilespmem:s31+$0xFFFFFF00] =	vst v20  }
0x112: {  	v20 =	vld [tilespmem:s9+$0xFFFFFF00];
	_ =	sdelay $0x1  }
0x113: {  	v21 =	vbroadcast v19, $0x7  }
0x114: {  	s1 =	sadd.s32 $0xFFFFFFF1, s22  }
0x115: {  	v22 =	vmov s1  }
0x116: {  	v22 =	vshrl.u32 v22, $0x3;
	v20 =	vmul.f32 v20, v21  }
.Ltmp0:
0x117: {  	v21 =	vshll.u32 v22, v1;
	(pc) =	sbr.rel @p0 .LBB2_4-.Ltmp0, $4  }
0x118: {  	v24 =	vbroadcast v21, $0x0;
	[tilespmem:s31+$0xFFFFFF80] =	vst v20  }
0x119: {  	v25 =	vld [tilespmem:s9+$0x0]  }
0x11a: {  	v23 =	vor.u32 v15, v24;
	v22 =	vor.u32 v17, v24  }
0x11b: {  	s16 =	smov.u32 s5;
	v27 =	vbroadcast v19, $0x8;
	v21 =	vadd.s32 v16, v24;
	v20 =	vadd.s32 v12, v24;
	s9 =	sadd.s32 $0x10, s9  }
0x11c: {  	_ =	sdelay $0x1  }
0x11d: {  	v25 =	vmul.f32 v25, v27;
	_ =	sdelay $0x1  }
0x11e: {  	[tilespmem:s11+$0x0] =	vst v25  }
0x11f: {  	v25 =	vld [tilespmem:s0+$0x100];
	_ =	sdelay $0x2  }
0x120: {  	v26 =	vbroadcast v19, $0x9;
	_ =	sdelay $0x1  }
0x121: {  	v25 =	vmul.f32 v25, v26;
	_ =	sdelay $0x1  }
0x122: {  	[tilespmem:s11+$0x80] =	vst v25  }
0x123: {  	v25 =	vld [tilespmem:s0+$0x200];
	_ =	sdelay $0x2  }
0x124: {  	v39 =	vbroadcast v19, $0xA;
	_ =	sdelay $0x1  }
0x125: {  	v25 =	vmul.f32 v25, v39;
	_ =	sdelay $0x1  }
0x126: {  	[tilespmem:s11+$0x100] =	vst v25  }
0x127: {  	v25 =	vld [tilespmem:s0+$0x300];
	_ =	sdelay $0x2  }
0x128: {  	v40 =	vbroadcast v19, $0xB;
	_ =	sdelay $0x1  }
0x129: {  	v25 =	vmul.f32 v25, v40;
	_ =	sdelay $0x1  }
0x12a: {  	[tilespmem:s11+$0x180] =	vst v25  }
0x12b: {  	v25 =	vld [tilespmem:s0+$0x400];
	_ =	sdelay $0x2  }
0x12c: {  	v41 =	vbroadcast v19, $0xC;
	_ =	sdelay $0x1  }
0x12d: {  	v25 =	vmul.f32 v25, v41;
	_ =	sdelay $0x1  }
0x12e: {  	[tilespmem:s11+$0x200] =	vst v25  }
0x12f: {  	v25 =	vld [tilespmem:s0+$0x500];
	_ =	sdelay $0x2  }
0x130: {  	v42 =	vbroadcast v19, $0xD;
	_ =	sdelay $0x1  }
0x131: {  	v25 =	vmul.f32 v25, v42;
	_ =	sdelay $0x1  }
0x132: {  	[tilespmem:s11+$0x280] =	vst v25  }
0x133: {  	v25 =	vld [tilespmem:s0+$0x600];
	_ =	sdelay $0x2  }
0x134: {  	v43 =	vbroadcast v19, $0xE;
	_ =	sdelay $0x1  }
0x135: {  	v25 =	vmul.f32 v25, v43;
	_ =	sdelay $0x1  }
0x136: {  	[tilespmem:s11+$0x300] =	vst v25  }
0x137: {  	v25 =	vld [tilespmem:s0+$0x700];
	_ =	sdelay $0x2  }
0x138: {  	v44 =	vbroadcast v19, $0xF;
	_ =	sdelay $0x1  }
0x139: {  	v45 =	vadd.s32 v14, v24;
	v19 =	vmul.f32 v25, v44;
	_ =	sdelay $0x1  }
0x13a: {  	v47 =	vadd.s32 v13, v24;
	[tilespmem:s11+$0x380] =	vst v19  }
0x13b: {  	v46 =	vadd.s32 v8, v24;
	v23 =	vld.idx.msk [tilespmem:v23+s20+$0x0], $0xffff  }
0x13c: {  	v48 =	vadd.s32 v11, v24;
	v28 =	vadd.s32 v7, v24;
	v30 =	vadd.s32 v10, v24;
	v22 =	vld.idx.msk [tilespmem:v22+s21+$0x0], $0xffff  }
0x13d: {  	v31 =	vadd.s32 v9, v24;
	v32 =	vadd.s32 v3, v24;
	v34 =	vadd.s32 v2, v24;
	v26 =	vld.idx.msk [tilespmem:v45+s20+$0x0], $0xffff  }
0x13e: {  	s16 =	sadd.s32 $0xFFFFFFF9, s22;
	s1 =	sadd.s32 $0xFFFFFFFA, s22;
	s5 =	sadd.s32 $0xFFFFFFFB, s22;
	v35 =	vadd.s32 v4, v24;
	v38 =	vadd.s32 v5, v24;
	v51 =	vadd.s32 v6, v24;
	v21 =	vld.idx.msk [tilespmem:v21+s21+$0x0], $0xffff  }
0x13f: {  	s10 =	sadd.s32 $0xFFFFFFFD, s22;
	v29 =	vmov s16;
	v33 =	vmov s1;
	v36 =	vmov s5;
	v27 =	vld.idx.msk [tilespmem:v47+s21+$0x0], $0xffff  }
0x140: {  	s1 =	sadd.s32 $0xFFFFFFFC, s22;
	v56 =	vmov s10;
	v29 =	vshrl.u32 v29, $0x3;
	v33 =	vshrl.u32 v33, $0x3;
	v20 =	vld.idx.msk [tilespmem:v20+s20+$0x0], $0xffff  }
0x141: {  	v37 =	vmov s1;
	v36 =	vshrl.u32 v36, $0x3;
	v29 =	vshll.u32 v29, v1;
	v19 =	vld.idx.msk [tilespmem:v48+s21+$0x0], $0xffff  }
0x142: {  	v33 =	vshll.u32 v33, v1;
	v37 =	vshrl.u32 v37, $0x3;
	v25 =	vld.idx.msk [tilespmem:v46+s20+$0x0], $0xffff;
	v22 =	vmul.f32 v22, v23  }
0x143: {  	v50 =	vshll.u32 v36, v1;
	v29 =	vbroadcast v29, $0x0;
	v49 =	vbroadcast v33, $0x0;
	v30 =	vld.idx.msk [tilespmem:v30+s21+$0x0], $0xffff  }
0x144: {  	s16 =	sadd.s32 $0xFFFFFFFF, s22;
	v52 =	vshll.u32 v37, v1;
	v28 =	vld.idx.msk [tilespmem:v28+s20+$0x0], $0xffff;
	v21 =	vmul.f32 v21, v26;
	v22 =	vadd.f32 $0.0e+00, v22  }
0x145: {  	v62 =	vmov s16;
	v53 =	vbroadcast v50, $0x0;
	v54 =	vbroadcast v52, $0x0;
	v31 =	vld.idx.msk [tilespmem:v31+s21+$0x0], $0xffff  }
0x146: {  	v17 =	vadd.s32 v17, v29;
	v57 =	vld.idx.msk [tilespmem:v38+s20+$0x0], $0xffff;
	v20 =	vmul.f32 v27, v20;
	v21 =	vadd.f32 v21, v22  }
0x147: {  	v15 =	vadd.s32 v15, v29;
	v55 =	vadd.s32 v14, v49;
	v16 =	vadd.s32 v16, v49;
	v24 =	vld.idx.msk [tilespmem:v51+s21+$0x0], $0xffff  }
0x148: {  	v12 =	vadd.s32 v12, v53;
	s11 =	sadd.s32 $0xFFFFFFFE, s22;
	v61 =	vld.idx.msk [tilespmem:v32+s20+$0x0], $0xffff;
	v19 =	vmul.f32 v19, v25;
	v20 =	vadd.f32 v20, v21  }
0x149: {  	v58 =	vadd.s32 v13, v53;
	v60 =	vmov s11;
	v63 =	vld.idx.msk [tilespmem:v35+s21+$0x0], $0xffff;
	v32 =	vshrl.u32 v62, $0x3  }
0x14a: {  	v33 =	vld.idx.msk [tilespmem:v34+s20+$0x0], $0xffff;
	v34 =	vadd.s32 v11, v54;
	v28 =	vmul.f32 v30, v28;
	v19 =	vadd.f32 v19, v20  }
0x14b: {  	v17 =	vld.idx.msk [tilespmem:v17+s21+$0x0], $0xffff;
	v35 =	vadd.s32 v8, v54;
	v38 =	vmov s22;
	v22 =	vshrl.u32 v56, $0x3  }
0x14c: {  	v15 =	vld.idx.msk [tilespmem:v15+s20+$0x0], $0xffff;
	v23 =	vmul.f32 v31, v57;
	v59 =	vshll.u32 v22, v1;
	v19 =	vadd.f32 v28, v19  }
0x14d: {  	v42 =	vshrl.u32 v38, $0x3;
	v30 =	vshrl.u32 v60, $0x3;
	v21 =	vbroadcast v59, $0x0  }
0x14e: {  	v16 =	vld.idx.msk [tilespmem:v16+s21+$0x0], $0xffff;
	v24 =	vmul.f32 v24, v61;
	v20 =	vshll.u32 v30, v1;
	v19 =	vadd.f32 v23, v19  }
0x14f: {  	v14 =	vld.idx.msk [tilespmem:v55+s20+$0x0], $0xffff;
	v39 =	vmul.f32 v63, v33;
	v37 =	vadd.s32 v10, v21;
	v20 =	vbroadcast v20, $0x0  }
0x150: {  	v13 =	vld.idx.msk [tilespmem:v58+s21+$0x0], $0xffff;
	v22 =	vshll.u32 v32, v1;
	v36 =	vadd.s32 v7, v21;
	v19 =	vadd.f32 v24, v19  }
0x151: {  	v12 =	vld.idx.msk [tilespmem:v12+s20+$0x0], $0xffff;
	v15 =	vmul.f32 v17, v15;
	v22 =	vbroadcast v22, $0x0;
	v41 =	vadd.s32 v9, v20  }
0x152: {  	v11 =	vld.idx.msk [tilespmem:v34+s21+$0x0], $0xffff;
	v40 =	vadd.s32 v5, v20;
	v20 =	vshll.u32 v42, v1;
	v43 =	vadd.f32 v39, v19  }
0x153: {  	v8 =	vld.idx.msk [tilespmem:v35+s20+$0x0], $0xffff;
	v44 =	vadd.s32 v6, v22;
	v45 =	vbroadcast v20, $0x0  }
0x154: {  	v14 =	vmul.f32 v16, v14;
	v3 =	vadd.s32 v3, v22;
	v10 =	vld.idx.msk [tilespmem:v37+s21+$0x0], $0xffff;
	v15 =	vadd.f32 v15, v43  }
0x155: {  	v7 =	vld.idx.msk [tilespmem:v36+s20+$0x0], $0xffff;
	v46 =	vadd.s32 v4, v45  }
0x156: {  	v12 =	vmul.f32 v13, v12;
	v2 =	vadd.s32 v2, v45;
	v9 =	vld.idx.msk [tilespmem:v41+s21+$0x0], $0xffff;
	v47 =	vadd.f32 v14, v15  }
0x157: {  	v5 =	vld.idx.msk [tilespmem:v40+s20+$0x0], $0xffff  }
0x158: {  	v8 =	vmul.f32 v11, v8;
	v6 =	vld.idx.msk [tilespmem:v44+s21+$0x0], $0xffff;
	v48 =	vadd.f32 v12, v47  }
0x159: {  	v3 =	vld.idx.msk [tilespmem:v3+s20+$0x0], $0xffff  }
0x15a: {  	v7 =	vmul.f32 v10, v7;
	v4 =	vld.idx.msk [tilespmem:v46+s21+$0x0], $0xffff;
	v8 =	vadd.f32 v8, v48  }
0x15b: {  	v2 =	vld.idx.msk [tilespmem:v2+s20+$0x0], $0xffff  }
0x15c: {  	v5 =	vmul.f32 v9, v5;
	v7 =	vadd.f32 v7, v8;
	_ =	sdelay $0x1  }
0x15d: {  	v3 =	vmul.f32 v6, v3;
	v5 =	vadd.f32 v5, v7;
	_ =	sdelay $0x1  }
0x15e: {  	v2 =	vmul.f32 v4, v2;
	v3 =	vadd.f32 v3, v5;
	_ =	sdelay $0x1  }
0x15f: {  	v2 =	vadd.f32 v2, v3;
	_ =	sdelay $0x1  }
0x160: {  	v2 =	vmul.f32 $1.442695020e+00, v2;
	_ =	sdelay $0x1  }
0x161: {  	s22 =	sadd.s32 $0x1, s13;
	(erf) = vpow2.f32 v2  }
0x162: {  	v2 =	vmov s22  }
0x163: {  	v2 =	vand.u32 $0x7, v2  }
0x164: {  	v2 =	vbroadcast v2, $0x0;
	_ =	sdelay $0x1  }
0x165: {  	v2 =	vor.u32 v18, v2;
	_ =	sdelay $0x3  }
0x166: {  	v3 =	vpop (erf)  }
0x167: {  	[tilespmem:v2+s26+$0x0] =	vst.idx.msk $0xffff, v3  }
0x168: {  	v2 =	vld [tilespmem:s9+$0xFFFFF800];
	_ =	sdelay $0x2  }
0x169: {  	v49 =	vbroadcast v3, $0x0;
	_ =	sdelay $0x1  }
0x16a: {  	v2 =	vmul.f32 v49, v2  }
0x16b: {  	s31 =	sadd.s32 $0x10, s31  }
0x16c: {  	[tilespmem:s31+$0xFFFFFC00] =	vst v2  }
0x16d: {  	v2 =	vld [tilespmem:s9+$0xFFFFF900];
	_ =	sdelay $0x2  }
0x16e: {  	v50 =	vbroadcast v3, $0x1;
	_ =	sdelay $0x1  }
0x16f: {  	v2 =	vmul.f32 v50, v2;
	_ =	sdelay $0x1  }
0x170: {  	[tilespmem:s31+$0xFFFFFC80] =	vst v2  }
0x171: {  	v2 =	vld [tilespmem:s9+$0xFFFFFA00];
	_ =	sdelay $0x2  }
0x172: {  	v51 =	vbroadcast v3, $0x2;
	_ =	sdelay $0x1  }
0x173: {  	v2 =	vmul.f32 v2, v51;
	_ =	sdelay $0x1  }
0x174: {  	[tilespmem:s31+$0xFFFFFD00] =	vst v2  }
0x175: {  	v2 =	vld [tilespmem:s9+$0xFFFFFB00];
	_ =	sdelay $0x2  }
0x176: {  	v52 =	vbroadcast v3, $0x3;
	_ =	sdelay $0x1  }
0x177: {  	v2 =	vmul.f32 v2, v52;
	_ =	sdelay $0x1  }
0x178: {  	[tilespmem:s31+$0xFFFFFD80] =	vst v2  }
0x179: {  	v2 =	vld [tilespmem:s9+$0xFFFFFC00];
	_ =	sdelay $0x2  }
0x17a: {  	v53 =	vbroadcast v3, $0x4;
	_ =	sdelay $0x1  }
0x17b: {  	v2 =	vmul.f32 v2, v53;
	_ =	sdelay $0x1  }
0x17c: {  	[tilespmem:s31+$0xFFFFFE00] =	vst v2  }
0x17d: {  	v2 =	vld [tilespmem:s9+$0xFFFFFD00];
	_ =	sdelay $0x2  }
0x17e: {  	v54 =	vbroadcast v3, $0x5;
	_ =	sdelay $0x1  }
0x17f: {  	v2 =	vmul.f32 v2, v54;
	_ =	sdelay $0x1  }
0x180: {  	[tilespmem:s31+$0xFFFFFE80] =	vst v2  }
0x181: {  	v2 =	vld [tilespmem:s9+$0xFFFFFE00];
	_ =	sdelay $0x2  }
0x182: {  	v55 =	vbroadcast v3, $0x6;
	_ =	sdelay $0x1  }
0x183: {  	v2 =	vmul.f32 v2, v55;
	_ =	sdelay $0x1  }
0x184: {  	[tilespmem:s31+$0xFFFFFF00] =	vst v2  }
0x185: {  	v2 =	vld [tilespmem:s9+$0xFFFFFF00];
	_ =	sdelay $0x2  }
0x186: {  	v56 =	vbroadcast v3, $0x7;
	_ =	sdelay $0x1  }
0x187: {  	v2 =	vmul.f32 v2, v56;
	_ =	sdelay $0x1  }
0x188: {  	[tilespmem:s31+$0xFFFFFF80] =	vst v2  }
0x189: {  	v2 =	vld [tilespmem:s9+$0x0];
	_ =	sdelay $0x2  }
0x18a: {  	v57 =	vbroadcast v3, $0x8;
	_ =	sdelay $0x1  }
0x18b: {  	v2 =	vmul.f32 v2, v57;
	_ =	sdelay $0x1  }
0x18c: {  	[tilespmem:s31+$0x0] =	vst v2  }
0x18d: {  	v2 =	vld [tilespmem:s9+$0x100];
	_ =	sdelay $0x2  }
0x18e: {  	v58 =	vbroadcast v3, $0x9;
	_ =	sdelay $0x1  }
0x18f: {  	v2 =	vmul.f32 v2, v58;
	_ =	sdelay $0x1  }
0x190: {  	[tilespmem:s31+$0x80] =	vst v2  }
0x191: {  	v2 =	vld [tilespmem:s9+$0x200];
	_ =	sdelay $0x2  }
0x192: {  	v59 =	vbroadcast v3, $0xA;
	_ =	sdelay $0x1  }
0x193: {  	v2 =	vmul.f32 v2, v59;
	_ =	sdelay $0x1  }
0x194: {  	[tilespmem:s31+$0x100] =	vst v2  }
0x195: {  	v2 =	vld [tilespmem:s9+$0x300];
	_ =	sdelay $0x2  }
0x196: {  	v60 =	vbroadcast v3, $0xB;
	_ =	sdelay $0x1  }
0x197: {  	v2 =	vmul.f32 v2, v60;
	_ =	sdelay $0x1  }
0x198: {  	[tilespmem:s31+$0x180] =	vst v2  }
0x199: {  	v2 =	vld [tilespmem:s9+$0x400];
	_ =	sdelay $0x2  }
0x19a: {  	v61 =	vbroadcast v3, $0xC;
	_ =	sdelay $0x1  }
0x19b: {  	v2 =	vmul.f32 v2, v61;
	_ =	sdelay $0x1  }
0x19c: {  	[tilespmem:s31+$0x200] =	vst v2  }
0x19d: {  	v2 =	vld [tilespmem:s9+$0x500];
	_ =	sdelay $0x2  }
0x19e: {  	v62 =	vbroadcast v3, $0xD;
	_ =	sdelay $0x1  }
0x19f: {  	v2 =	vmul.f32 v2, v62;
	_ =	sdelay $0x1  }
0x1a0: {  	[tilespmem:s31+$0x280] =	vst v2  }
0x1a1: {  	v2 =	vld [tilespmem:s9+$0x600];
	_ =	sdelay $0x2  }
0x1a2: {  	v63 =	vbroadcast v3, $0xE;
	_ =	sdelay $0x1  }
0x1a3: {  	v2 =	vmul.f32 v2, v63;
	_ =	sdelay $0x1  }
0x1a4: {  	[tilespmem:s31+$0x300] =	vst v2  }
0x1a5: {  	v2 =	vld [tilespmem:s9+$0x700]  }
0x1a6: {  	s3 =	sadd.s32 $0x1, s3  }
0x1a7: {  	p0 =	sne.s32 s3, $0x5  }
.Ltmp1:
0x1a8: {  	v3 =	vbroadcast v3, $0xF;
	(pc) =	sbr.rel @p0 .LBB2_3-.Ltmp1, $3  }
0x1a9: {  	_ = 	snop  }
0x1aa: {  	v2 =	vmul.f32 v2, v3;
	_ =	sdelay $0x1  }
0x1ab: {  	s24 =	sadd.s32 $0x800, s24;
	s14 =	sadd.s32 $0x1000, s14;
	[tilespmem:s31+$0x380] =	vst v2  }
0x1ac: {  	[spmem:s4] =	stream.indirect.scatter.add.f32 [tilespmem:s26], [sflag:$0x3], $0x8, s17, s19, $0xb8;
	[tilespmem:$0x1EF28] =	vst v63  }
0x1ad: {  	s29 =	sadd.s32 $0x1, s29;
	_ =	swait.ge [sflag:s15], $0x280  }
0x1ae: {  	p0 =	sne.s32 s29, $0x7D;
	[sflag:s15] =	ssyncset.done $0x0  }
.Ltmp2:
0x1af: {  	[sflag:s15] =	ssyncadd.s32 $0xFFFFFD80;
	(pc) =	sbr.rel @p0 .LBB2_2-.Ltmp2, $4  }
0x1b0: {  	[spmem:s2] =	stream.indirect.scatter.add.f32 [tilespmem:s28], [sflag:$0x3], $0x80, s17, s19, $0xb8;
	[tilespmem:$0x1EF28] =	vst v63  }
0x1b1: {  	_ =	swait.ge [sflag:s15], $0x2800  }
0x1b2: {  	[sflag:s15] =	ssyncset.done $0x0  }
0x1b3: {  	[sflag:s15] =	ssyncadd.s32 $0xFFFFD800  }
0x1b4: {  	[bflag:$0x0] =	sbarrier.arrive $0xFFFF  }
0x1b5: {  	s1 =	rddreg [dreg:$0x7]  }
0x1b6: {  	s3 =	rddreg [dreg:$0xa]  }
0x1b7: {  	s0 =	rddreg [dreg:$0xc]  }
0x1b8: {  	[hbm:s0], [sflag:s1] =	dma.local [spmem:s3], $0x2710  }
0x1b9: {  	_ =	swait.ge [sflag:s15], $0x2710  }
0x1ba: {  	[sflag:s15] =	ssyncset.done $0x0;
	s5 =	rddreg [dreg:$0xb]  }
0x1bb: {  	s29 =	rddreg [dreg:$0xd];
	[sflag:s15] =	ssyncadd.s32 $0xFFFFD8F0  }
0x1bc: {  	[hbm:s29], [sflag:s1] =	dma.local [spmem:s5], $0x271  }
0x1bd: {  	_ =	swait.ge [sflag:s15], $0x271  }
0x1be: {  	s22 =	rddreg [dreg:$0x5]  }
0x1bf: {  	s31 =	rddreg [dreg:$0x9];
	s22 =	sadd.s32 $0x1, s22  }
0x1c0: {  	p0 =	sne.s32 s22, s31  }
.Ltmp3:
0x1c1: {  	_ = 	snop;
	(pc) =	sbr.rel @p0 .LBB2_1-.Ltmp3, $3  }
0x1c2: {  	_ =	sdelay $0x1  }
0x1c3: {  	[sflag:s15] =	ssyncset.done $0x0  }
0x1c4: {  	[sflag:s15] =	ssyncadd.s32 $0xFFFFFD8F  }
0x1c5: {  	_ =	sfence.sel $0x180000  }
0x1c6: {  	[bflag:$0x0] =	sbarrier.arrive $0xFFFF  }
0x1c7: {  	_ =	strace $0x90000047  }
0x1c8: {  	s0 =	stileid.u32;
	[bflag:$0x2] =	sbarrier.arrive $0xFFFF  }
0x1c9: {  	p0 =	sne.s32 s0, $0x0;
	s0 =	rddreg [dreg:$0x4]  }
0x1ca: {  	s0 =	sadd.s32 @!p0 $0x100000, s0  }
0x1cb: {  	[sflag:s0] =	ssyncadd.tile.s32 @!p0 $0x1;
	_ =	shalt  }
.Lfunc_end2:
_tile_overlayer_lowered:
.L_overlay_start_2:
0x1cc: {  	(tag) =	ssettag $0x2  }
0x1cd: {  	s0 =	rddreg [dreg:$0x0];
	s2 =	stileid.u32  }
0x1ce: {  	s1 =	rddreg [dreg:$0x1];
	p0 =	sne.s32 s2, $0x0  }
0x1cf: {  	s3 =	rddreg [dreg:$0x2];
	[bflag:$0x3] =	sbarrier.arrive $0xFFFF;
	s2 =	simm.s32 @!p0 $0x1C03  }
0x1d0: {  	[timem:s3], [sflag:s2] =	dma.local @!p0 [hbm:s0], s1  }
0x1d1: {  	s0 =	simm.s32 @!p0 $0x3  }
0x1d2: {  	_ =	swait.ge @!p0 [sflag:s0], s1  }
0x1d3: {  	s1 =	ssub.s32 @!p0 $0x0, s1;
	[sflag:s0] =	ssyncset.done @!p0 $0x0  }
0x1d4: {  	[sflag:s0] =	ssyncadd.s32 @!p0 s1  }
0x1d5: {  	[bflag:$0x3] =	sbarrier.arrive $0xFFFF  }
0x1d6: {  	_ =	shalt  }

</sc_bundles>
